<compile_context>
chip_gen: v7x
topology: tpu7x:2x2x1
jax: 0.10.2.dev20260603
libtpu: 0.0.44.dev20260713+nightly
codegen_flags: <defaults>
</compile_context>

<pallas_src>
import functools

import jax
import jax.numpy as jnp
from jax import lax
from jax.experimental import pallas as pl
from jax.experimental.pallas import tpu as pltpu
from jax.experimental.pallas import tpu_sc as plsc

N = 16384
B = 8
NB = N // B
C = 64
K = 16
H = 8
DH = C // H
ROWS = N * K
CNT = float(ROWS)
EPS = 1e-5

F32 = jnp.float32


_RB1 = 1024





_QB = 512


def _knn_body(posq_ref, posTb_ref, x_ref, wqT, bq, wkT, bk, wvT, bv,
              idx_ref, q_ref, k_ref, v_ref):
    xb = x_ref[...]
    q_ref[...] = jnp.dot(xb, wqT[...], preferred_element_type=F32) + bq[...]
    k_ref[...] = jnp.dot(xb, wkT[...], preferred_element_type=F32) + bk[...]
    v_ref[...] = jnp.dot(xb, wvT[...], preferred_element_type=F32) + bv[...]
    pq = posq_ref[...]
    ct = posTb_ref[...]
    sqq = jnp.sum(pq * pq, axis=1, keepdims=True)
    sqc = jnp.sum(ct * ct, axis=0, keepdims=True)
    dot = jnp.dot(pq, ct, preferred_element_type=F32)
    d = (sqq + sqc) - 2.0 * dot
    iota = lax.broadcasted_iota(jnp.int32, d.shape, 1)
    iota16 = lax.broadcasted_iota(jnp.int32, (_QB, K), 1)
    big = F32(3e38)
    bigi = jnp.int32(NB)
    idx_acc = jnp.zeros((_QB, K), jnp.int32)
    for t in range(K):
        m = jnp.min(d, axis=1, keepdims=True)
        am = jnp.min(jnp.where(d <= m, iota, bigi), axis=1, keepdims=True)
        d = jnp.where(iota == am, big, d)
        idx_acc = idx_acc + jnp.where(iota16 == t, am, 0)
    b = pl.program_id(0)
    idx_ref[...] = idx_acc + b * NB


def _knn(pos, posT, x, wqT, bq, wkT, bk, wvT, bv):
    full = lambda shp: pl.BlockSpec(shp, lambda b, q: (0,) * len(shp))
    row = lambda shp: pl.BlockSpec(shp, lambda b, q: (b * (NB // _QB) + q, 0))
    return pl.pallas_call(
        _knn_body,
        grid=(B, NB // _QB),
        in_specs=[
            row((_QB, 3)),
            pl.BlockSpec((3, NB), lambda b, q: (0, b)),
            row((_QB, C)),
            full((C, C)), full((1, C)), full((C, C)), full((1, C)),
            full((C, C)), full((1, C)),
        ],
        out_specs=[row((_QB, K)), row((_QB, C)), row((_QB, C)),
                   row((_QB, C))],
        out_shape=[jax.ShapeDtypeStruct((N, K), jnp.int32)]
        + [jax.ShapeDtypeStruct((N, C), F32)] * 3,
    )(pos, posT, x, wqT, bq, wkT, bk, wvT, bv)



_NW = 32
_PER_W = ROWS // _NW
_CH = 128
_NCH = _PER_W // _CH


@functools.lru_cache(maxsize=1)
def _build_sc_gather_kv():
    mesh = plsc.VectorSubcoreMesh(core_axis_name="c", subcore_axis_name="s")

    @functools.partial(
        pl.kernel,
        mesh=mesh,
        compiler_params=pltpu.CompilerParams(use_tc_tiling_on_sc=False),
        out_type=(
            jax.ShapeDtypeStruct((ROWS, C), F32),
            jax.ShapeDtypeStruct((ROWS, C), F32),
        ),
        scratch_types=[
            pltpu.VMEM((_CH,), jnp.int32),
            pltpu.VMEM((_CH,), jnp.int32),
            pltpu.VMEM((_CH, C), F32),
            pltpu.VMEM((_CH, C), F32),
            pltpu.VMEM((_CH, C), F32),
            pltpu.VMEM((_CH, C), F32),
            pltpu.SemaphoreType.DMA,
            pltpu.SemaphoreType.DMA,
            pltpu.SemaphoreType.DMA,
            pltpu.SemaphoreType.DMA,
        ],
    )
    def gather_kv(idx_hbm, wk_hbm, wv_hbm, kg_hbm, vg_hbm,
                  idxb0, idxb1, kb0, kb1, vb0, vb1,
                  semk0, semk1, semv0, semv1):
        wid = lax.axis_index("s") * 2 + lax.axis_index("c")

        def body(i2, carry):
            base0 = wid * _PER_W + i2 * (2 * _CH)
            base1 = base0 + _CH
            pltpu.sync_copy(idx_hbm.at[pl.ds(base0, _CH)], idxb0)
            ck0 = pltpu.async_copy(wk_hbm.at[idxb0], kb0, semk0)
            cv0 = pltpu.async_copy(wv_hbm.at[idxb0], vb0, semv0)
            pltpu.sync_copy(idx_hbm.at[pl.ds(base1, _CH)], idxb1)
            ck1 = pltpu.async_copy(wk_hbm.at[idxb1], kb1, semk1)
            cv1 = pltpu.async_copy(wv_hbm.at[idxb1], vb1, semv1)
            ck0.wait()
            cv0.wait()
            pltpu.sync_copy(kb0, kg_hbm.at[pl.ds(base0, _CH)])
            pltpu.sync_copy(vb0, vg_hbm.at[pl.ds(base0, _CH)])
            ck1.wait()
            cv1.wait()
            pltpu.sync_copy(kb1, kg_hbm.at[pl.ds(base1, _CH)])
            pltpu.sync_copy(vb1, vg_hbm.at[pl.ds(base1, _CH)])
            return carry

        lax.fori_loop(0, _NCH // 2, body, 0)

    return gather_kv


@functools.lru_cache(maxsize=1)
def _build_sc_gather_pg():
    mesh = plsc.VectorSubcoreMesh(core_axis_name="c", subcore_axis_name="s")

    @functools.partial(
        pl.kernel,
        mesh=mesh,
        compiler_params=pltpu.CompilerParams(use_tc_tiling_on_sc=False),
        out_type=jax.ShapeDtypeStruct((ROWS, 16), F32),
        scratch_types=[
            pltpu.VMEM((_CH,), jnp.int32),
            pltpu.VMEM((_CH,), jnp.int32),
            pltpu.VMEM((_CH, 16), F32),
            pltpu.VMEM((_CH, 16), F32),
            pltpu.SemaphoreType.DMA,
            pltpu.SemaphoreType.DMA,
        ],
    )
    def gather_pg(idx_hbm, pp_hbm, pg_hbm, idxb0, idxb1, pb0, pb1,
                  semp0, semp1):
        wid = lax.axis_index("s") * 2 + lax.axis_index("c")

        def body(i2, carry):
            base0 = wid * _PER_W + i2 * (2 * _CH)
            base1 = base0 + _CH
            pltpu.sync_copy(idx_hbm.at[pl.ds(base0, _CH)], idxb0)
            cp0 = pltpu.async_copy(pp_hbm.at[idxb0], pb0, semp0)
            pltpu.sync_copy(idx_hbm.at[pl.ds(base1, _CH)], idxb1)
            cp1 = pltpu.async_copy(pp_hbm.at[idxb1], pb1, semp1)
            cp0.wait()
            pltpu.sync_copy(pb0, pg_hbm.at[pl.ds(base0, _CH)])
            cp1.wait()
            pltpu.sync_copy(pb1, pg_hbm.at[pl.ds(base1, _CH)])
            return carry

        lax.fori_loop(0, _NCH // 2, body, 0)

    return gather_pg



_PB = 256
_RB = _PB * K


def _mom_pad(s0, s1, width):
    z = jnp.zeros((1, 128 - width), F32)
    r0 = jnp.concatenate([s0, z], axis=1)
    r1 = jnp.concatenate([s1, z], axis=1)
    return jnp.concatenate([r0, r1, jnp.zeros((6, 128), F32)], axis=0)


def _mom_accum(mom_ref, upd):
    @pl.when(pl.program_id(0) == 0)
    def _():
        mom_ref[...] = jnp.zeros((8, 128), F32)

    mom_ref[...] += upd


def _stats(mom_arr, width):
    mean = mom_arr[0:1, 0:width] / CNT
    var = mom_arr[1:2, 0:width] / CNT - mean * mean
    return mean, lax.rsqrt(var + EPS)


def _pos_h(pg, pp_blk, w1p, b1p):
    rel = pg - jnp.repeat(pp_blk, K, axis=0)
    return jnp.dot(rel, w1p, preferred_element_type=F32) + b1p


def _pos_enc(h, mean1, rstd1, g1p, bt1p, w2p, b2p):
    hn = (h - mean1) * rstd1 * g1p + bt1p
    r = jnp.maximum(hn, 0.0)
    return jnp.dot(r, w2p, preferred_element_type=F32) + b2p


def _relmom_body(pg_ref, pp_ref, w1p, b1p, mom_ref):
    h = _pos_h(pg_ref[...], pp_ref[...], w1p[...], b1p[...])
    s0 = jnp.sum(h, axis=0, keepdims=True)
    s1 = jnp.sum(h * h, axis=0, keepdims=True)
    _mom_accum(mom_ref, _mom_pad(s0, s1, 16))


def _relmom(pg, pp, w1p, b1p):
    full = lambda shp: pl.BlockSpec(shp, lambda i: (0,) * len(shp))
    nblk = N // _PB
    return pl.pallas_call(
        _relmom_body,
        grid=(nblk,),
        in_specs=[
            pl.BlockSpec((_RB, 16), lambda i: (i, 0)),
            pl.BlockSpec((_PB, 16), lambda i: (i, 0)),
            full((16, 16)), full((1, 16)),
        ],
        out_specs=pl.BlockSpec((8, 128), lambda i: (0, 0)),
        out_shape=jax.ShapeDtypeStruct((8, 128), F32),
    )(pg, pp, w1p, b1p)


def _passB_body(kg_ref, pg_ref, wq_ref, pp_ref, st1_ref, w1p, b1p, g1p, bt1p,
                w2p, b2p, attn_ref, mom_ref):
    mean1, rstd1 = _stats(st1_ref[...], 16)
    h = _pos_h(pg_ref[...], pp_ref[...], w1p[...], b1p[...])
    pe = _pos_enc(h, mean1, rstd1, g1p[...], bt1p[...], w2p[...], b2p[...])
    wq_rep = jnp.repeat(wq_ref[...], K, axis=0)
    a = kg_ref[...] - wq_rep + pe
    attn_ref[...] = a
    s0 = jnp.sum(a, axis=0, keepdims=True)
    s1 = jnp.sum(a * a, axis=0, keepdims=True)
    _mom_accum(mom_ref, _mom_pad(s0, s1, C))


def _passB(kg, pg, wq_full, pp, st1, w1p, b1p, g1p, bt1p, w2p, b2p):
    full = lambda shp: pl.BlockSpec(shp, lambda i: (0,) * len(shp))
    nblk = N // _PB
    return pl.pallas_call(
        _passB_body,
        grid=(nblk,),
        in_specs=[
            pl.BlockSpec((_RB, C), lambda i: (i, 0)),
            pl.BlockSpec((_RB, 16), lambda i: (i, 0)),
            pl.BlockSpec((_PB, C), lambda i: (i, 0)),
            pl.BlockSpec((_PB, 16), lambda i: (i, 0)),
            full((8, 128)),
            full((16, 16)), full((1, 16)), full((1, 16)), full((1, 16)),
            full((16, C)), full((1, C)),
        ],
        out_specs=[
            pl.BlockSpec((_RB, C), lambda i: (i, 0)),
            pl.BlockSpec((8, 128), lambda i: (0, 0)),
        ],
        out_shape=[
            jax.ShapeDtypeStruct((ROWS, C), F32),
            jax.ShapeDtypeStruct((8, 128), F32),
        ],
    )(kg, pg, wq_full, pp, st1, w1p, b1p, g1p, bt1p, w2p, b2p)


_RBC = 8192


def _passC_body(attn_ref, st2_ref, w1T, b1m, g1m, bt1m, s_ref, mom_ref):
    mean2, rstd2 = _stats(st2_ref[...], C)
    an = (attn_ref[...] - mean2) * rstd2 * g1m[...] + bt1m[...]
    r = jnp.maximum(an, 0.0)
    s = jnp.dot(r, w1T[...], preferred_element_type=F32) + b1m[...]
    s_ref[...] = s
    s0 = jnp.sum(s, axis=0, keepdims=True)
    s1 = jnp.sum(s * s, axis=0, keepdims=True)
    _mom_accum(mom_ref, _mom_pad(s0, s1, DH))


def _passC(attn, st2, w1T, b1m, g1m, bt1m):
    full = lambda shp: pl.BlockSpec(shp, lambda i: (0,) * len(shp))
    nblk = ROWS // _RBC
    return pl.pallas_call(
        _passC_body,
        grid=(nblk,),
        in_specs=[
            pl.BlockSpec((_RBC, C), lambda i: (i, 0)),
            full((8, 128)),
            full((C, DH)), full((1, DH)), full((1, C)), full((1, C)),
        ],
        out_specs=[
            pl.BlockSpec((_RBC, DH), lambda i: (i, 0)),
            pl.BlockSpec((8, 128), lambda i: (0, 0)),
        ],
        out_shape=[
            jax.ShapeDtypeStruct((ROWS, DH), F32),
            jax.ShapeDtypeStruct((8, 128), F32),
        ],
    )(attn, st2, w1T, b1m, g1m, bt1m)


def _passD_body(s_ref, st3_ref, vg_ref, pg_ref, pp_ref, st1_ref,
                w1p, b1p, g1p, bt1p, w2p, b2p,
                w2T, b2m, g2m, bt2m, out_ref):
    mean3, rstd3 = _stats(st3_ref[...], DH)
    sn = (s_ref[...] - mean3) * rstd3 * g2m[...] + bt2m[...]
    u = jnp.dot(jnp.maximum(sn, 0.0), w2T[...],
                preferred_element_type=F32) + b2m[...]
    u3 = u.reshape(_PB, K, DH)
    e = jnp.exp(u3 - jnp.max(u3, axis=1, keepdims=True))
    w3 = e / jnp.sum(e, axis=1, keepdims=True)
    w = w3.reshape(_RB, DH)
    mean1, rstd1 = _stats(st1_ref[...], 16)
    h = _pos_h(pg_ref[...], pp_ref[...], w1p[...], b1p[...])
    pe = _pos_enc(h, mean1, rstd1, g1p[...], bt1p[...], w2p[...], b2p[...])
    v = vg_ref[...] + pe
    w64 = jnp.tile(w, (1, H))
    out_ref[...] = jnp.sum((v * w64).reshape(_PB, K, C), axis=1)


def _passD(s, st3, vg, pg, pp, st1, w1p, b1p, g1p, bt1p, w2p, b2p,
           w2T, b2m, g2m, bt2m):
    full = lambda shp: pl.BlockSpec(shp, lambda i: (0,) * len(shp))
    nblk = N // _PB
    return pl.pallas_call(
        _passD_body,
        grid=(nblk,),
        in_specs=[
            pl.BlockSpec((_RB, DH), lambda i: (i, 0)),
            full((8, 128)),
            pl.BlockSpec((_RB, C), lambda i: (i, 0)),
            pl.BlockSpec((_RB, 16), lambda i: (i, 0)),
            pl.BlockSpec((_PB, 16), lambda i: (i, 0)),
            full((8, 128)),
            full((16, 16)), full((1, 16)), full((1, 16)), full((1, 16)),
            full((16, C)), full((1, C)),
            full((DH, DH)), full((1, DH)), full((1, DH)), full((1, DH)),
        ],
        out_specs=pl.BlockSpec((_PB, C), lambda i: (i, 0)),
        out_shape=jax.ShapeDtypeStruct((N, C), F32),
    )(s, st3, vg, pg, pp, st1, w1p, b1p, g1p, bt1p, w2p, b2p,
      w2T, b2m, g2m, bt2m)



def kernel(pos, x, offset, wq, bq, wk, bk, wv, bv, pos_w1, pos_b1, pos_bn_g,
           pos_bn_b, pos_w2, pos_b2, mlp_bn1_g, mlp_bn1_b, mlp_w1, mlp_b1,
           mlp_bn2_g, mlp_bn2_b, mlp_w2, mlp_b2):
    posT = pos.T
    pp = jnp.pad(pos, ((0, 0), (0, 13)))
    pad16 = lambda v: jnp.pad(v, (0, 13)).reshape(1, 16)
    w1p = jnp.pad(pos_w1.T, ((0, 13), (0, 13)))
    b1p = pad16(pos_b1)
    g1p = pad16(pos_bn_g)
    bt1p = pad16(pos_bn_b)
    w2p = jnp.pad(pos_w2.T, ((0, 13), (0, 0)))
    b2p = pos_b2.reshape(1, C)
    w1T = mlp_w1.T
    b1m = mlp_b1.reshape(1, DH)
    g1m = mlp_bn1_g.reshape(1, C)
    bt1m = mlp_bn1_b.reshape(1, C)
    w2T = mlp_w2.T
    b2m = mlp_b2.reshape(1, DH)
    g2m = mlp_bn2_g.reshape(1, DH)
    bt2m = mlp_bn2_b.reshape(1, DH)
    idx, wq_full, wk_full, wv_full = _knn(
        pos, posT, x, wq.T, bq.reshape(1, C), wk.T, bk.reshape(1, C),
        wv.T, bv.reshape(1, C))
    idxf = idx.reshape(ROWS)
    pg = _build_sc_gather_pg()(idxf, pp)
    kg, vg = _build_sc_gather_kv()(idxf, wk_full, wv_full)
    mom1 = _relmom(pg, pp, w1p, b1p)
    attn, mom2 = _passB(kg, pg, wq_full, pp, mom1, w1p, b1p, g1p, bt1p,
                        w2p, b2p)
    s, mom3 = _passC(attn, mom2, w1T, b1m, g1m, bt1m)
    return _passD(s, mom3, vg, pg, pp, mom1, w1p, b1p, g1p, bt1p,
                  w2p, b2p, w2T, b2m, g2m, bt2m)

# --- scband reference (transcript-rebuilt; emitter-appended) ---
"""Pipeline reference for scband-point-transformer-7387343749851 (READ-ONLY COPY).

The authoritative reference and input builder live on the scoring server;
editing this copy changes nothing except your own understanding.
"""

import jax, jax.numpy as jnp
import numpy as np

K_NEIGHBORS = 16
N_HEADS = 8


def _bn1d(x, gamma, beta, eps=1e-5):
    # Equivalent to LayerNorm1d (BatchNorm1d in training mode) applied to [N, K, C]:
    # stats per channel C over the (N, K) axes.
    mean = jnp.mean(x, axis=(0, 1), keepdims=True)
    var = jnp.var(x, axis=(0, 1), keepdims=True)
    xn = (x - mean) / jnp.sqrt(var + eps)
    return xn * gamma[None, None, :] + beta[None, None, :]


def _knn_gather(feats, coords, k, B):
    # group_knn_features with query_coords=None and equal-size batch segments:
    # kNN is computed independently inside each of the B point clouds.
    N, C = feats.shape
    Nb = N // B
    fb = feats.reshape(B, Nb, C)
    cb = coords.reshape(B, Nb, 3)
    sq = jnp.sum(cb * cb, axis=-1)
    d = sq[:, :, None] + sq[:, None, :] - 2.0 * jnp.einsum('bnd,bmd->bnm', cb, cb)
    _, idx = jax.lax.top_k(-d, k)  # [B, Nb, k] nearest neighbors (incl. self)
    gf = jax.vmap(lambda f, i: f[i])(fb, idx)  # gather features [B, Nb, k, C]
    gc = jax.vmap(lambda c, i: c[i])(cb, idx)  # gather coords   [B, Nb, k, 3]
    rel = gc - cb[:, :, None, :]               # relative position neighbor - query
    return gf.reshape(N, k, C), rel.reshape(N, k, 3)


def setup_inputs(seed: int = 0):
    key = jax.random.key(seed)
    ks = jax.random.split(key, 8)
    N, B, C = 16384, 8, 64
    inp = {}
    inp['pos'] = jax.random.normal(ks[0], (N, 3), dtype=jnp.float32)
    inp['x'] = jax.random.normal(ks[1], (N, C), dtype=jnp.float32)
    inp['offset'] = jnp.full((B,), N // B, dtype=jnp.int32)
    inp['wq'] = 0.1 * jax.random.normal(ks[2], (C, C), dtype=jnp.float32)
    inp['bq'] = jnp.zeros((C,), dtype=jnp.float32)
    inp['wk'] = 0.1 * jax.random.normal(ks[3], (C, C), dtype=jnp.float32)
    inp['bk'] = jnp.zeros((C,), dtype=jnp.float32)
    inp['wv'] = 0.1 * jax.random.normal(ks[4], (C, C), dtype=jnp.float32)
    inp['bv'] = jnp.zeros((C,), dtype=jnp.float32)
    inp['pos_w1'] = 0.3 * jax.random.normal(ks[5], (3, 3), dtype=jnp.float32)
    inp['pos_b1'] = jnp.zeros((3,), dtype=jnp.float32)
    inp['pos_bn_g'] = jnp.ones((3,), dtype=jnp.float32)
    inp['pos_bn_b'] = jnp.zeros((3,), dtype=jnp.float32)
    inp['pos_w2'] = 0.1 * jax.random.normal(ks[6], (C, 3), dtype=jnp.float32)
    inp['pos_b2'] = jnp.zeros((C,), dtype=jnp.float32)
    inp['mlp_bn1_g'] = jnp.ones((C,), dtype=jnp.float32)
    inp['mlp_bn1_b'] = jnp.zeros((C,), dtype=jnp.float32)
    inp['mlp_w1'] = 0.1 * jax.random.normal(ks[7], (C // N_HEADS, C), dtype=jnp.float32)
    inp['mlp_b1'] = jnp.zeros((C // N_HEADS,), dtype=jnp.float32)
    inp['mlp_bn2_g'] = jnp.ones((C // N_HEADS,), dtype=jnp.float32)
    inp['mlp_bn2_b'] = jnp.zeros((C // N_HEADS,), dtype=jnp.float32)
    inp['mlp_w2'] = 0.2 * jax.random.normal(jax.random.fold_in(key, 99), (C // N_HEADS, C // N_HEADS), dtype=jnp.float32)
    inp['mlp_b2'] = jnp.zeros((C // N_HEADS,), dtype=jnp.float32)
    return inp


def reference(pos, x, offset, wq, bq, wk, bk, wv, bv, pos_w1, pos_b1, pos_bn_g, pos_bn_b, pos_w2, pos_b2, mlp_bn1_g, mlp_bn1_b, mlp_w1, mlp_b1, mlp_bn2_g, mlp_bn2_b, mlp_w2, mlp_b2):
    B = offset.shape[0]
    k = K_NEIGHBORS
    N, C = x.shape
    Wq = x @ wq.T + bq
    Wk = x @ wk.T + bk
    Wv = x @ wv.T + bv
    Wk_g, rel = _knn_gather(Wk, pos, k, B)
    Wv_g, _ = _knn_gather(Wv, pos, k, B)
    # position encoding MLP: Linear(3,3) -> LayerNorm1d(3) -> ReLU -> Linear(3, C)
    h = rel @ pos_w1.T + pos_b1
    h = _bn1d(h, pos_bn_g, pos_bn_b)
    h = jax.nn.relu(h)
    pos_enc = h @ pos_w2.T + pos_b2  # [N, k, C]; einops.reduce with j=C is identity (i=1)
    attn = Wk_g - Wq[:, None, :] + pos_enc
    s = _bn1d(attn, mlp_bn1_g, mlp_bn1_b)
    s = jax.nn.relu(s)
    s = s @ mlp_w1.T + mlp_b1
    s = _bn1d(s, mlp_bn2_g, mlp_bn2_b)
    s = jax.nn.relu(s)
    s = s @ mlp_w2.T + mlp_b2  # [N, k, C // n_heads]
    w = jax.nn.softmax(s, axis=1)  # softmax over neighbors
    v = (Wv_g + pos_enc).reshape(N, k, N_HEADS, C // N_HEADS)
    out = jnp.einsum('ntsi,nti->nsi', v, w).reshape(N, C)
    return out

if __name__ == "__main__":
    import jax
    _d = setup_inputs()
    print(jax.jit(kernel)(*tuple(_d.values())))

</pallas_src>

<mosaic_0001>
#map = affine_map<(d0, d1) -> (0)>
#map1 = affine_map<(d0, d1) -> (0, 0)>
module attributes {stable_mosaic.version = 14 : i64} {
  func.func @gather_kv(%arg0: i32, %arg1: i32, %arg2: memref<262144xi32, #tpu.memory_space<hbm>>, %arg3: memref<16384x64xf32, #tpu.memory_space<hbm>>, %arg4: memref<16384x64xf32, #tpu.memory_space<hbm>>, %arg5: memref<262144x64xf32, #tpu.memory_space<hbm>>, %arg6: memref<262144x64xf32, #tpu.memory_space<hbm>>, %arg7: memref<128xi32, #tpu.memory_space<vmem>>, %arg8: memref<128xi32, #tpu.memory_space<vmem>>, %arg9: memref<128x64xf32, #tpu.memory_space<vmem>>, %arg10: memref<128x64xf32, #tpu.memory_space<vmem>>, %arg11: memref<128x64xf32, #tpu.memory_space<vmem>>, %arg12: memref<128x64xf32, #tpu.memory_space<vmem>>, %arg13: memref<!tpu.dma_semaphore, #tpu.memory_space<semaphore_mem>>, %arg14: memref<!tpu.dma_semaphore, #tpu.memory_space<semaphore_mem>>, %arg15: memref<!tpu.dma_semaphore, #tpu.memory_space<semaphore_mem>>, %arg16: memref<!tpu.dma_semaphore, #tpu.memory_space<semaphore_mem>>) attributes {dimension_semantics = [#tpu.dimension_semantics<core_parallel>, #tpu.dimension_semantics<subcore_parallel>], iteration_bounds = array<i64: 2, 16>, scalar_prefetch = 0 : i64, scratch_operands = 10 : i64, tpu.core_type = #tpu.core_type<sc_vector_subcore>, window_params = [{transform_indices = #map}, {transform_indices = #map1}, {transform_indices = #map1}, {transform_indices = #map1}, {transform_indices = #map1}]} {
    %mul3A = arith.constant 2 : i32
    %mul3A_0 = arith.muli %arg1, %mul3A : i32
    %add3A = arith.addi %mul3A_0, %arg0 : i32
    %scan3A = arith.constant 0 : i32
    %scan3A_1 = arith.constant 0 : i32
    %scan3A_2 = arith.constant 32 : i32
    %scan3A_3 = arith.addi %scan3A_1, %scan3A_2 : i32
    %scan3A_4 = arith.constant 1 : i32
    scf.for %scan3A_6 = %scan3A_1 to %scan3A_3 step %scan3A_4  : i32 {
      %mul3A_7 = arith.constant 8192 : i32
      %mul3A_8 = arith.muli %add3A, %mul3A_7 : i32
      %mul3A_9 = arith.constant 256 : i32
      %mul3A_10 = arith.muli %scan3A_6, %mul3A_9 : i32
      %add3A_11 = arith.addi %mul3A_8, %mul3A_10 : i32
      %add3A_12 = arith.constant 128 : i32
      %add3A_13 = arith.addi %add3A_11, %add3A_12 : i32
      "tpu.region"() ({
        %run_scoped3A = tpu.sem_alloc : memref<!tpu.dma_semaphore, #tpu.memory_space<semaphore_mem>>
        %dma_start3A_36 = tpu.memref_slice %arg2[%add3A_11] : memref<262144xi32, #tpu.memory_space<hbm>> -> memref<128xi32, #tpu.memory_space<hbm>>
        %dma_start3A_37 = tpu.memref_slice %arg2[%add3A_11] : memref<262144xi32, #tpu.memory_space<hbm>> -> memref<128xi32, #tpu.memory_space<hbm>>
        tpu.enqueue_dma source(%dma_start3A_37 : memref<128xi32, #tpu.memory_space<hbm>>) target(%arg7 : memref<128xi32, #tpu.memory_space<vmem>>) target_semaphore(%run_scoped3A : memref<!tpu.dma_semaphore, #tpu.memory_space<semaphore_mem>>)
        %dma_wait3A_38 = tpu.memref_slice %arg2[%add3A_11] : memref<262144xi32, #tpu.memory_space<hbm>> -> memref<128xi32, #tpu.memory_space<hbm>>
        %dma_wait3A_39 = tpu.memref_slice %arg2[%add3A_11] : memref<262144xi32, #tpu.memory_space<hbm>> -> memref<128xi32, #tpu.memory_space<hbm>>
        tpu.wait_dma2 semaphore(%run_scoped3A : memref<!tpu.dma_semaphore, #tpu.memory_space<semaphore_mem>>) src(%dma_wait3A_39 : memref<128xi32, #tpu.memory_space<hbm>>) dst(%arg7 : memref<128xi32, #tpu.memory_space<vmem>>)
        tpu.yield
      }) : () -> ()
      %dma_start3A = arith.constant 0 : i32
      %dma_start3A_14 = arith.constant 0 : i32
      %dma_start3A_15 = tpu.memref_slice %arg3[%dma_start3A, %dma_start3A_14] : memref<16384x64xf32, #tpu.memory_space<hbm>> -> memref<16384x64xf32, #tpu.memory_space<hbm>>
      tpu.enqueue_indirect_dma source(%dma_start3A_15 : memref<16384x64xf32, #tpu.memory_space<hbm>>) target(%arg9 : memref<128x64xf32, #tpu.memory_space<vmem>>) offsets(%arg7 : memref<128xi32, #tpu.memory_space<vmem>>) semaphore(%arg13 : memref<!tpu.dma_semaphore, #tpu.memory_space<semaphore_mem>>)
      %dma_start3A_16 = arith.constant 0 : i32
      %dma_start3A_17 = arith.constant 0 : i32
      %dma_start3A_18 = tpu.memref_slice %arg4[%dma_start3A_16, %dma_start3A_17] : memref<16384x64xf32, #tpu.memory_space<hbm>> -> memref<16384x64xf32, #tpu.memory_space<hbm>>
      tpu.enqueue_indirect_dma source(%dma_start3A_18 : memref<16384x64xf32, #tpu.memory_space<hbm>>) target(%arg11 : memref<128x64xf32, #tpu.memory_space<vmem>>) offsets(%arg7 : memref<128xi32, #tpu.memory_space<vmem>>) semaphore(%arg15 : memref<!tpu.dma_semaphore, #tpu.memory_space<semaphore_mem>>)
      "tpu.region"() ({
        %run_scoped3A = tpu.sem_alloc : memref<!tpu.dma_semaphore, #tpu.memory_space<semaphore_mem>>
        %dma_start3A_36 = tpu.memref_slice %arg2[%add3A_13] : memref<262144xi32, #tpu.memory_space<hbm>> -> memref<128xi32, #tpu.memory_space<hbm>>
        %dma_start3A_37 = tpu.memref_slice %arg2[%add3A_13] : memref<262144xi32, #tpu.memory_space<hbm>> -> memref<128xi32, #tpu.memory_space<hbm>>
        tpu.enqueue_dma source(%dma_start3A_37 : memref<128xi32, #tpu.memory_space<hbm>>) target(%arg8 : memref<128xi32, #tpu.memory_space<vmem>>) target_semaphore(%run_scoped3A : memref<!tpu.dma_semaphore, #tpu.memory_space<semaphore_mem>>)
        %dma_wait3A_38 = tpu.memref_slice %arg2[%add3A_13] : memref<262144xi32, #tpu.memory_space<hbm>> -> memref<128xi32, #tpu.memory_space<hbm>>
        %dma_wait3A_39 = tpu.memref_slice %arg2[%add3A_13] : memref<262144xi32, #tpu.memory_space<hbm>> -> memref<128xi32, #tpu.memory_space<hbm>>
        tpu.wait_dma2 semaphore(%run_scoped3A : memref<!tpu.dma_semaphore, #tpu.memory_space<semaphore_mem>>) src(%dma_wait3A_39 : memref<128xi32, #tpu.memory_space<hbm>>) dst(%arg8 : memref<128xi32, #tpu.memory_space<vmem>>)
        tpu.yield
      }) : () -> ()
      %dma_start3A_19 = arith.constant 0 : i32
      %dma_start3A_20 = arith.constant 0 : i32
      %dma_start3A_21 = tpu.memref_slice %arg3[%dma_start3A_19, %dma_start3A_20] : memref<16384x64xf32, #tpu.memory_space<hbm>> -> memref<16384x64xf32, #tpu.memory_space<hbm>>
      tpu.enqueue_indirect_dma source(%dma_start3A_21 : memref<16384x64xf32, #tpu.memory_space<hbm>>) target(%arg10 : memref<128x64xf32, #tpu.memory_space<vmem>>) offsets(%arg8 : memref<128xi32, #tpu.memory_space<vmem>>) semaphore(%arg14 : memref<!tpu.dma_semaphore, #tpu.memory_space<semaphore_mem>>)
      %dma_start3A_22 = arith.constant 0 : i32
      %dma_start3A_23 = arith.constant 0 : i32
      %dma_start3A_24 = tpu.memref_slice %arg4[%dma_start3A_22, %dma_start3A_23] : memref<16384x64xf32, #tpu.memory_space<hbm>> -> memref<16384x64xf32, #tpu.memory_space<hbm>>
      tpu.enqueue_indirect_dma source(%dma_start3A_24 : memref<16384x64xf32, #tpu.memory_space<hbm>>) target(%arg12 : memref<128x64xf32, #tpu.memory_space<vmem>>) offsets(%arg8 : memref<128xi32, #tpu.memory_space<vmem>>) semaphore(%arg16 : memref<!tpu.dma_semaphore, #tpu.memory_space<semaphore_mem>>)
      %dma_wait3A = arith.constant 0 : i32
      %dma_wait3A_25 = arith.constant 0 : i32
      %dma_wait3A_26 = tpu.memref_slice %arg3[%dma_wait3A, %dma_wait3A_25] : memref<16384x64xf32, #tpu.memory_space<hbm>> -> memref<16384x64xf32, #tpu.memory_space<hbm>>
      tpu.wait_indirect_dma semaphore(%arg13 : memref<!tpu.dma_semaphore, #tpu.memory_space<semaphore_mem>>) src(%dma_wait3A_26 : memref<16384x64xf32, #tpu.memory_space<hbm>>) dst(%arg9 : memref<128x64xf32, #tpu.memory_space<vmem>>)
      %dma_wait3A_27 = arith.constant 0 : i32
      %dma_wait3A_28 = arith.constant 0 : i32
      %dma_wait3A_29 = tpu.memref_slice %arg4[%dma_wait3A_27, %dma_wait3A_28] : memref<16384x64xf32, #tpu.memory_space<hbm>> -> memref<16384x64xf32, #tpu.memory_space<hbm>>
      tpu.wait_indirect_dma semaphore(%arg15 : memref<!tpu.dma_semaphore, #tpu.memory_space<semaphore_mem>>) src(%dma_wait3A_29 : memref<16384x64xf32, #tpu.memory_space<hbm>>) dst(%arg11 : memref<128x64xf32, #tpu.memory_space<vmem>>)
      "tpu.region"() ({
        %run_scoped3A = tpu.sem_alloc : memref<!tpu.dma_semaphore, #tpu.memory_space<semaphore_mem>>
        %dma_start3A_36 = arith.constant 0 : i32
        %dma_start3A_37 = tpu.memref_slice %arg5[%add3A_11, %dma_start3A_36] : memref<262144x64xf32, #tpu.memory_space<hbm>> -> memref<128x64xf32, #tpu.memory_space<hbm>>
        %dma_start3A_38 = arith.constant 0 : i32
        %dma_start3A_39 = tpu.memref_slice %arg5[%add3A_11, %dma_start3A_38] : memref<262144x64xf32, #tpu.memory_space<hbm>> -> memref<128x64xf32, #tpu.memory_space<hbm>>
        tpu.enqueue_dma source(%arg9 : memref<128x64xf32, #tpu.memory_space<vmem>>) target(%dma_start3A_39 : memref<128x64xf32, #tpu.memory_space<hbm>>) target_semaphore(%run_scoped3A : memref<!tpu.dma_semaphore, #tpu.memory_space<semaphore_mem>>)
        %dma_wait3A_40 = arith.constant 0 : i32
        %dma_wait3A_41 = tpu.memref_slice %arg5[%add3A_11, %dma_wait3A_40] : memref<262144x64xf32, #tpu.memory_space<hbm>> -> memref<128x64xf32, #tpu.memory_space<hbm>>
        %dma_wait3A_42 = arith.constant 0 : i32
        %dma_wait3A_43 = tpu.memref_slice %arg5[%add3A_11, %dma_wait3A_42] : memref<262144x64xf32, #tpu.memory_space<hbm>> -> memref<128x64xf32, #tpu.memory_space<hbm>>
        tpu.wait_dma2 semaphore(%run_scoped3A : memref<!tpu.dma_semaphore, #tpu.memory_space<semaphore_mem>>) src(%arg9 : memref<128x64xf32, #tpu.memory_space<vmem>>) dst(%dma_wait3A_43 : memref<128x64xf32, #tpu.memory_space<hbm>>)
        tpu.yield
      }) : () -> ()
      "tpu.region"() ({
        %run_scoped3A = tpu.sem_alloc : memref<!tpu.dma_semaphore, #tpu.memory_space<semaphore_mem>>
        %dma_start3A_36 = arith.constant 0 : i32
        %dma_start3A_37 = tpu.memref_slice %arg6[%add3A_11, %dma_start3A_36] : memref<262144x64xf32, #tpu.memory_space<hbm>> -> memref<128x64xf32, #tpu.memory_space<hbm>>
        %dma_start3A_38 = arith.constant 0 : i32
        %dma_start3A_39 = tpu.memref_slice %arg6[%add3A_11, %dma_start3A_38] : memref<262144x64xf32, #tpu.memory_space<hbm>> -> memref<128x64xf32, #tpu.memory_space<hbm>>
        tpu.enqueue_dma source(%arg11 : memref<128x64xf32, #tpu.memory_space<vmem>>) target(%dma_start3A_39 : memref<128x64xf32, #tpu.memory_space<hbm>>) target_semaphore(%run_scoped3A : memref<!tpu.dma_semaphore, #tpu.memory_space<semaphore_mem>>)
        %dma_wait3A_40 = arith.constant 0 : i32
        %dma_wait3A_41 = tpu.memref_slice %arg6[%add3A_11, %dma_wait3A_40] : memref<262144x64xf32, #tpu.memory_space<hbm>> -> memref<128x64xf32, #tpu.memory_space<hbm>>
        %dma_wait3A_42 = arith.constant 0 : i32
        %dma_wait3A_43 = tpu.memref_slice %arg6[%add3A_11, %dma_wait3A_42] : memref<262144x64xf32, #tpu.memory_space<hbm>> -> memref<128x64xf32, #tpu.memory_space<hbm>>
        tpu.wait_dma2 semaphore(%run_scoped3A : memref<!tpu.dma_semaphore, #tpu.memory_space<semaphore_mem>>) src(%arg11 : memref<128x64xf32, #tpu.memory_space<vmem>>) dst(%dma_wait3A_43 : memref<128x64xf32, #tpu.memory_space<hbm>>)
        tpu.yield
      }) : () -> ()
      %dma_wait3A_30 = arith.constant 0 : i32
      %dma_wait3A_31 = arith.constant 0 : i32
      %dma_wait3A_32 = tpu.memref_slice %arg3[%dma_wait3A_30, %dma_wait3A_31] : memref<16384x64xf32, #tpu.memory_space<hbm>> -> memref<16384x64xf32, #tpu.memory_space<hbm>>
      tpu.wait_indirect_dma semaphore(%arg14 : memref<!tpu.dma_semaphore, #tpu.memory_space<semaphore_mem>>) src(%dma_wait3A_32 : memref<16384x64xf32, #tpu.memory_space<hbm>>) dst(%arg10 : memref<128x64xf32, #tpu.memory_space<vmem>>)
      %dma_wait3A_33 = arith.constant 0 : i32
      %dma_wait3A_34 = arith.constant 0 : i32
      %dma_wait3A_35 = tpu.memref_slice %arg4[%dma_wait3A_33, %dma_wait3A_34] : memref<16384x64xf32, #tpu.memory_space<hbm>> -> memref<16384x64xf32, #tpu.memory_space<hbm>>
      tpu.wait_indirect_dma semaphore(%arg16 : memref<!tpu.dma_semaphore, #tpu.memory_space<semaphore_mem>>) src(%dma_wait3A_35 : memref<16384x64xf32, #tpu.memory_space<hbm>>) dst(%arg12 : memref<128x64xf32, #tpu.memory_space<vmem>>)
      "tpu.region"() ({
        %run_scoped3A = tpu.sem_alloc : memref<!tpu.dma_semaphore, #tpu.memory_space<semaphore_mem>>
        %dma_start3A_36 = arith.constant 0 : i32
        %dma_start3A_37 = tpu.memref_slice %arg5[%add3A_13, %dma_start3A_36] : memref<262144x64xf32, #tpu.memory_space<hbm>> -> memref<128x64xf32, #tpu.memory_space<hbm>>
        %dma_start3A_38 = arith.constant 0 : i32
        %dma_start3A_39 = tpu.memref_slice %arg5[%add3A_13, %dma_start3A_38] : memref<262144x64xf32, #tpu.memory_space<hbm>> -> memref<128x64xf32, #tpu.memory_space<hbm>>
        tpu.enqueue_dma source(%arg10 : memref<128x64xf32, #tpu.memory_space<vmem>>) target(%dma_start3A_39 : memref<128x64xf32, #tpu.memory_space<hbm>>) target_semaphore(%run_scoped3A : memref<!tpu.dma_semaphore, #tpu.memory_space<semaphore_mem>>)
        %dma_wait3A_40 = arith.constant 0 : i32
        %dma_wait3A_41 = tpu.memref_slice %arg5[%add3A_13, %dma_wait3A_40] : memref<262144x64xf32, #tpu.memory_space<hbm>> -> memref<128x64xf32, #tpu.memory_space<hbm>>
        %dma_wait3A_42 = arith.constant 0 : i32
        %dma_wait3A_43 = tpu.memref_slice %arg5[%add3A_13, %dma_wait3A_42] : memref<262144x64xf32, #tpu.memory_space<hbm>> -> memref<128x64xf32, #tpu.memory_space<hbm>>
        tpu.wait_dma2 semaphore(%run_scoped3A : memref<!tpu.dma_semaphore, #tpu.memory_space<semaphore_mem>>) src(%arg10 : memref<128x64xf32, #tpu.memory_space<vmem>>) dst(%dma_wait3A_43 : memref<128x64xf32, #tpu.memory_space<hbm>>)
        tpu.yield
      }) : () -> ()
      "tpu.region"() ({
        %run_scoped3A = tpu.sem_alloc : memref<!tpu.dma_semaphore, #tpu.memory_space<semaphore_mem>>
        %dma_start3A_36 = arith.constant 0 : i32
        %dma_start3A_37 = tpu.memref_slice %arg6[%add3A_13, %dma_start3A_36] : memref<262144x64xf32, #tpu.memory_space<hbm>> -> memref<128x64xf32, #tpu.memory_space<hbm>>
        %dma_start3A_38 = arith.constant 0 : i32
        %dma_start3A_39 = tpu.memref_slice %arg6[%add3A_13, %dma_start3A_38] : memref<262144x64xf32, #tpu.memory_space<hbm>> -> memref<128x64xf32, #tpu.memory_space<hbm>>
        tpu.enqueue_dma source(%arg12 : memref<128x64xf32, #tpu.memory_space<vmem>>) target(%dma_start3A_39 : memref<128x64xf32, #tpu.memory_space<hbm>>) target_semaphore(%run_scoped3A : memref<!tpu.dma_semaphore, #tpu.memory_space<semaphore_mem>>)
        %dma_wait3A_40 = arith.constant 0 : i32
        %dma_wait3A_41 = tpu.memref_slice %arg6[%add3A_13, %dma_wait3A_40] : memref<262144x64xf32, #tpu.memory_space<hbm>> -> memref<128x64xf32, #tpu.memory_space<hbm>>
        %dma_wait3A_42 = arith.constant 0 : i32
        %dma_wait3A_43 = tpu.memref_slice %arg6[%add3A_13, %dma_wait3A_42] : memref<262144x64xf32, #tpu.memory_space<hbm>> -> memref<128x64xf32, #tpu.memory_space<hbm>>
        tpu.wait_dma2 semaphore(%run_scoped3A : memref<!tpu.dma_semaphore, #tpu.memory_space<semaphore_mem>>) src(%arg12 : memref<128x64xf32, #tpu.memory_space<vmem>>) dst(%dma_wait3A_43 : memref<128x64xf32, #tpu.memory_space<hbm>>)
        tpu.yield
      }) : () -> ()
    }
    %scan3A_5 = arith.constant 32 : i32
    return
  }
}

#map = affine_map<(d0, d1) -> (0)>
#map1 = affine_map<(d0, d1) -> (0, 0)>
module attributes {stable_mosaic.version = 14 : i64} {
  func.func @gather_pg(%arg0: i32, %arg1: i32, %arg2: memref<262144xi32, #tpu.memory_space<hbm>>, %arg3: memref<16384x16xf32, #tpu.memory_space<hbm>>, %arg4: memref<262144x16xf32, #tpu.memory_space<hbm>>, %arg5: memref<128xi32, #tpu.memory_space<vmem>>, %arg6: memref<128xi32, #tpu.memory_space<vmem>>, %arg7: memref<128x16xf32, #tpu.memory_space<vmem>>, %arg8: memref<128x16xf32, #tpu.memory_space<vmem>>, %arg9: memref<!tpu.dma_semaphore, #tpu.memory_space<semaphore_mem>>, %arg10: memref<!tpu.dma_semaphore, #tpu.memory_space<semaphore_mem>>) attributes {dimension_semantics = [#tpu.dimension_semantics<core_parallel>, #tpu.dimension_semantics<subcore_parallel>], iteration_bounds = array<i64: 2, 16>, scalar_prefetch = 0 : i64, scratch_operands = 6 : i64, tpu.core_type = #tpu.core_type<sc_vector_subcore>, window_params = [{transform_indices = #map}, {transform_indices = #map1}, {transform_indices = #map1}]} {
    %mul3A = arith.constant 2 : i32
    %mul3A_0 = arith.muli %arg1, %mul3A : i32
    %add3A = arith.addi %mul3A_0, %arg0 : i32
    %scan3A = arith.constant 0 : i32
    %scan3A_1 = arith.constant 0 : i32
    %scan3A_2 = arith.constant 32 : i32
    %scan3A_3 = arith.addi %scan3A_1, %scan3A_2 : i32
    %scan3A_4 = arith.constant 1 : i32
    scf.for %scan3A_6 = %scan3A_1 to %scan3A_3 step %scan3A_4  : i32 {
      %mul3A_7 = arith.constant 8192 : i32
      %mul3A_8 = arith.muli %add3A, %mul3A_7 : i32
      %mul3A_9 = arith.constant 256 : i32
      %mul3A_10 = arith.muli %scan3A_6, %mul3A_9 : i32
      %add3A_11 = arith.addi %mul3A_8, %mul3A_10 : i32
      %add3A_12 = arith.constant 128 : i32
      %add3A_13 = arith.addi %add3A_11, %add3A_12 : i32
      "tpu.region"() ({
        %run_scoped3A = tpu.sem_alloc : memref<!tpu.dma_semaphore, #tpu.memory_space<semaphore_mem>>
        %dma_start3A_24 = tpu.memref_slice %arg2[%add3A_11] : memref<262144xi32, #tpu.memory_space<hbm>> -> memref<128xi32, #tpu.memory_space<hbm>>
        %dma_start3A_25 = tpu.memref_slice %arg2[%add3A_11] : memref<262144xi32, #tpu.memory_space<hbm>> -> memref<128xi32, #tpu.memory_space<hbm>>
        tpu.enqueue_dma source(%dma_start3A_25 : memref<128xi32, #tpu.memory_space<hbm>>) target(%arg5 : memref<128xi32, #tpu.memory_space<vmem>>) target_semaphore(%run_scoped3A : memref<!tpu.dma_semaphore, #tpu.memory_space<semaphore_mem>>)
        %dma_wait3A_26 = tpu.memref_slice %arg2[%add3A_11] : memref<262144xi32, #tpu.memory_space<hbm>> -> memref<128xi32, #tpu.memory_space<hbm>>
        %dma_wait3A_27 = tpu.memref_slice %arg2[%add3A_11] : memref<262144xi32, #tpu.memory_space<hbm>> -> memref<128xi32, #tpu.memory_space<hbm>>
        tpu.wait_dma2 semaphore(%run_scoped3A : memref<!tpu.dma_semaphore, #tpu.memory_space<semaphore_mem>>) src(%dma_wait3A_27 : memref<128xi32, #tpu.memory_space<hbm>>) dst(%arg5 : memref<128xi32, #tpu.memory_space<vmem>>)
        tpu.yield
      }) : () -> ()
      %dma_start3A = arith.constant 0 : i32
      %dma_start3A_14 = arith.constant 0 : i32
      %dma_start3A_15 = tpu.memref_slice %arg3[%dma_start3A, %dma_start3A_14] : memref<16384x16xf32, #tpu.memory_space<hbm>> -> memref<16384x16xf32, #tpu.memory_space<hbm>>
      tpu.enqueue_indirect_dma source(%dma_start3A_15 : memref<16384x16xf32, #tpu.memory_space<hbm>>) target(%arg7 : memref<128x16xf32, #tpu.memory_space<vmem>>) offsets(%arg5 : memref<128xi32, #tpu.memory_space<vmem>>) semaphore(%arg9 : memref<!tpu.dma_semaphore, #tpu.memory_space<semaphore_mem>>)
      "tpu.region"() ({
        %run_scoped3A = tpu.sem_alloc : memref<!tpu.dma_semaphore, #tpu.memory_space<semaphore_mem>>
        %dma_start3A_24 = tpu.memref_slice %arg2[%add3A_13] : memref<262144xi32, #tpu.memory_space<hbm>> -> memref<128xi32, #tpu.memory_space<hbm>>
        %dma_start3A_25 = tpu.memref_slice %arg2[%add3A_13] : memref<262144xi32, #tpu.memory_space<hbm>> -> memref<128xi32, #tpu.memory_space<hbm>>
        tpu.enqueue_dma source(%dma_start3A_25 : memref<128xi32, #tpu.memory_space<hbm>>) target(%arg6 : memref<128xi32, #tpu.memory_space<vmem>>) target_semaphore(%run_scoped3A : memref<!tpu.dma_semaphore, #tpu.memory_space<semaphore_mem>>)
        %dma_wait3A_26 = tpu.memref_slice %arg2[%add3A_13] : memref<262144xi32, #tpu.memory_space<hbm>> -> memref<128xi32, #tpu.memory_space<hbm>>
        %dma_wait3A_27 = tpu.memref_slice %arg2[%add3A_13] : memref<262144xi32, #tpu.memory_space<hbm>> -> memref<128xi32, #tpu.memory_space<hbm>>
        tpu.wait_dma2 semaphore(%run_scoped3A : memref<!tpu.dma_semaphore, #tpu.memory_space<semaphore_mem>>) src(%dma_wait3A_27 : memref<128xi32, #tpu.memory_space<hbm>>) dst(%arg6 : memref<128xi32, #tpu.memory_space<vmem>>)
        tpu.yield
      }) : () -> ()
      %dma_start3A_16 = arith.constant 0 : i32
      %dma_start3A_17 = arith.constant 0 : i32
      %dma_start3A_18 = tpu.memref_slice %arg3[%dma_start3A_16, %dma_start3A_17] : memref<16384x16xf32, #tpu.memory_space<hbm>> -> memref<16384x16xf32, #tpu.memory_space<hbm>>
      tpu.enqueue_indirect_dma source(%dma_start3A_18 : memref<16384x16xf32, #tpu.memory_space<hbm>>) target(%arg8 : memref<128x16xf32, #tpu.memory_space<vmem>>) offsets(%arg6 : memref<128xi32, #tpu.memory_space<vmem>>) semaphore(%arg10 : memref<!tpu.dma_semaphore, #tpu.memory_space<semaphore_mem>>)
      %dma_wait3A = arith.constant 0 : i32
      %dma_wait3A_19 = arith.constant 0 : i32
      %dma_wait3A_20 = tpu.memref_slice %arg3[%dma_wait3A, %dma_wait3A_19] : memref<16384x16xf32, #tpu.memory_space<hbm>> -> memref<16384x16xf32, #tpu.memory_space<hbm>>
      tpu.wait_indirect_dma semaphore(%arg9 : memref<!tpu.dma_semaphore, #tpu.memory_space<semaphore_mem>>) src(%dma_wait3A_20 : memref<16384x16xf32, #tpu.memory_space<hbm>>) dst(%arg7 : memref<128x16xf32, #tpu.memory_space<vmem>>)
      "tpu.region"() ({
        %run_scoped3A = tpu.sem_alloc : memref<!tpu.dma_semaphore, #tpu.memory_space<semaphore_mem>>
        %dma_start3A_24 = arith.constant 0 : i32
        %dma_start3A_25 = tpu.memref_slice %arg4[%add3A_11, %dma_start3A_24] : memref<262144x16xf32, #tpu.memory_space<hbm>> -> memref<128x16xf32, #tpu.memory_space<hbm>>
        %dma_start3A_26 = arith.constant 0 : i32
        %dma_start3A_27 = tpu.memref_slice %arg4[%add3A_11, %dma_start3A_26] : memref<262144x16xf32, #tpu.memory_space<hbm>> -> memref<128x16xf32, #tpu.memory_space<hbm>>
        tpu.enqueue_dma source(%arg7 : memref<128x16xf32, #tpu.memory_space<vmem>>) target(%dma_start3A_27 : memref<128x16xf32, #tpu.memory_space<hbm>>) target_semaphore(%run_scoped3A : memref<!tpu.dma_semaphore, #tpu.memory_space<semaphore_mem>>)
        %dma_wait3A_28 = arith.constant 0 : i32
        %dma_wait3A_29 = tpu.memref_slice %arg4[%add3A_11, %dma_wait3A_28] : memref<262144x16xf32, #tpu.memory_space<hbm>> -> memref<128x16xf32, #tpu.memory_space<hbm>>
        %dma_wait3A_30 = arith.constant 0 : i32
        %dma_wait3A_31 = tpu.memref_slice %arg4[%add3A_11, %dma_wait3A_30] : memref<262144x16xf32, #tpu.memory_space<hbm>> -> memref<128x16xf32, #tpu.memory_space<hbm>>
        tpu.wait_dma2 semaphore(%run_scoped3A : memref<!tpu.dma_semaphore, #tpu.memory_space<semaphore_mem>>) src(%arg7 : memref<128x16xf32, #tpu.memory_space<vmem>>) dst(%dma_wait3A_31 : memref<128x16xf32, #tpu.memory_space<hbm>>)
        tpu.yield
      }) : () -> ()
      %dma_wait3A_21 = arith.constant 0 : i32
      %dma_wait3A_22 = arith.constant 0 : i32
      %dma_wait3A_23 = tpu.memref_slice %arg3[%dma_wait3A_21, %dma_wait3A_22] : memref<16384x16xf32, #tpu.memory_space<hbm>> -> memref<16384x16xf32, #tpu.memory_space<hbm>>
      tpu.wait_indirect_dma semaphore(%arg10 : memref<!tpu.dma_semaphore, #tpu.memory_space<semaphore_mem>>) src(%dma_wait3A_23 : memref<16384x16xf32, #tpu.memory_space<hbm>>) dst(%arg8 : memref<128x16xf32, #tpu.memory_space<vmem>>)
      "tpu.region"() ({
        %run_scoped3A = tpu.sem_alloc : memref<!tpu.dma_semaphore, #tpu.memory_space<semaphore_mem>>
        %dma_start3A_24 = arith.constant 0 : i32
        %dma_start3A_25 = tpu.memref_slice %arg4[%add3A_13, %dma_start3A_24] : memref<262144x16xf32, #tpu.memory_space<hbm>> -> memref<128x16xf32, #tpu.memory_space<hbm>>
        %dma_start3A_26 = arith.constant 0 : i32
        %dma_start3A_27 = tpu.memref_slice %arg4[%add3A_13, %dma_start3A_26] : memref<262144x16xf32, #tpu.memory_space<hbm>> -> memref<128x16xf32, #tpu.memory_space<hbm>>
        tpu.enqueue_dma source(%arg8 : memref<128x16xf32, #tpu.memory_space<vmem>>) target(%dma_start3A_27 : memref<128x16xf32, #tpu.memory_space<hbm>>) target_semaphore(%run_scoped3A : memref<!tpu.dma_semaphore, #tpu.memory_space<semaphore_mem>>)
        %dma_wait3A_28 = arith.constant 0 : i32
        %dma_wait3A_29 = tpu.memref_slice %arg4[%add3A_13, %dma_wait3A_28] : memref<262144x16xf32, #tpu.memory_space<hbm>> -> memref<128x16xf32, #tpu.memory_space<hbm>>
        %dma_wait3A_30 = arith.constant 0 : i32
        %dma_wait3A_31 = tpu.memref_slice %arg4[%add3A_13, %dma_wait3A_30] : memref<262144x16xf32, #tpu.memory_space<hbm>> -> memref<128x16xf32, #tpu.memory_space<hbm>>
        tpu.wait_dma2 semaphore(%run_scoped3A : memref<!tpu.dma_semaphore, #tpu.memory_space<semaphore_mem>>) src(%arg8 : memref<128x16xf32, #tpu.memory_space<vmem>>) dst(%dma_wait3A_31 : memref<128x16xf32, #tpu.memory_space<hbm>>)
        tpu.yield
      }) : () -> ()
    }
    %scan3A_5 = arith.constant 32 : i32
    return
  }
}

module attributes {stable_mosaic.version = 14 : i64} {
  func.func @_knn_body(%arg0: i32, %arg1: i32, %arg2: memref<512x3xf32, #tpu.memory_space<vmem>>, %arg3: memref<3x2048xf32, #tpu.memory_space<vmem>>, %arg4: memref<512x64xf32, #tpu.memory_space<vmem>>, %arg5: memref<64x64xf32, #tpu.memory_space<vmem>>, %arg6: memref<1x64xf32, #tpu.memory_space<vmem>>, %arg7: memref<64x64xf32, #tpu.memory_space<vmem>>, %arg8: memref<1x64xf32, #tpu.memory_space<vmem>>, %arg9: memref<64x64xf32, #tpu.memory_space<vmem>>, %arg10: memref<1x64xf32, #tpu.memory_space<vmem>>, %arg11: memref<512x16xi32, #tpu.memory_space<vmem>>, %arg12: memref<512x64xf32, #tpu.memory_space<vmem>>, %arg13: memref<512x64xf32, #tpu.memory_space<vmem>>, %arg14: memref<512x64xf32, #tpu.memory_space<vmem>>) attributes {dimension_semantics = [#tpu.dimension_semantics<arbitrary>, #tpu.dimension_semantics<arbitrary>], iteration_bounds = array<i64: 8, 4>, scalar_prefetch = 0 : i64, scratch_operands = 0 : i64, tpu.core_type = #tpu.core_type<tc>, window_params = [{transform_indices = @transform_0, window_bounds = array<i64: 512, 3>}, {transform_indices = @transform_1, window_bounds = array<i64: 3, 2048>}, {transform_indices = @transform_2, window_bounds = array<i64: 512, 64>}, {pipeline_mode = #tpu.pipeline_mode<synchronous>, transform_indices = @transform_3, window_bounds = array<i64: 64, 64>}, {pipeline_mode = #tpu.pipeline_mode<synchronous>, transform_indices = @transform_4, window_bounds = array<i64: 1, 64>}, {pipeline_mode = #tpu.pipeline_mode<synchronous>, transform_indices = @transform_5, window_bounds = array<i64: 64, 64>}, {pipeline_mode = #tpu.pipeline_mode<synchronous>, transform_indices = @transform_6, window_bounds = array<i64: 1, 64>}, {pipeline_mode = #tpu.pipeline_mode<synchronous>, transform_indices = @transform_7, window_bounds = array<i64: 64, 64>}, {pipeline_mode = #tpu.pipeline_mode<synchronous>, transform_indices = @transform_8, window_bounds = array<i64: 1, 64>}, {transform_indices = @transform_9, window_bounds = array<i64: 512, 16>}, {transform_indices = @transform_10, window_bounds = array<i64: 512, 64>}, {transform_indices = @transform_11, window_bounds = array<i64: 512, 64>}, {transform_indices = @transform_12, window_bounds = array<i64: 512, 64>}]} {
    %get3A = arith.constant 0 : index
    %get3A_0 = arith.constant 0 : index
    %get3A_1 = vector.load %arg4[%get3A, %get3A_0] : memref<512x64xf32, #tpu.memory_space<vmem>>, vector<512x64xf32>
    %get3A_2 = arith.constant 0 : index
    %get3A_3 = arith.constant 0 : index
    %get3A_4 = vector.load %arg5[%get3A_2, %get3A_3] : memref<64x64xf32, #tpu.memory_space<vmem>>, vector<64x64xf32>
    %dot_general3A = arith.constant dense<0.000000e+00> : vector<512x64xf32>
    %dot_general3A_5 = tpu.matmul %get3A_1, %get3A_4, %dot_general3A {dimension_numbers = #tpu.dot_dimension_numbers<[1], [0], [0], [1], [0, 0, 1, 1], [], []>, transpose_lhs_hint = false} : vector<512x64xf32>, vector<64x64xf32>, vector<512x64xf32> -> vector<512x64xf32>
    %get3A_6 = arith.constant 0 : index
    %get3A_7 = arith.constant 0 : index
    %get3A_8 = vector.load %arg6[%get3A_6, %get3A_7] : memref<1x64xf32, #tpu.memory_space<vmem>>, vector<1x64xf32>
    %add3A = vector.broadcast %get3A_8 : vector<1x64xf32> to vector<512x64xf32>
    %add3A_9 = arith.addf %dot_general3A_5, %add3A : vector<512x64xf32>
    %swap3A = arith.constant 0 : index
    %swap3A_10 = arith.constant 0 : index
    %swap3A_11 = vector.load %arg12[%swap3A, %swap3A_10] : memref<512x64xf32, #tpu.memory_space<vmem>>, vector<512x64xf32>
    tpu.vector_store %arg12[%swap3A, %swap3A_10], %add3A_9 {strides = array<i32>} : memref<512x64xf32, #tpu.memory_space<vmem>>, vector<512x64xf32>,
    %get3A_12 = arith.constant 0 : index
    %get3A_13 = arith.constant 0 : index
    %get3A_14 = vector.load %arg7[%get3A_12, %get3A_13] : memref<64x64xf32, #tpu.memory_space<vmem>>, vector<64x64xf32>
    %dot_general3A_15 = arith.constant dense<0.000000e+00> : vector<512x64xf32>
    %dot_general3A_16 = tpu.matmul %get3A_1, %get3A_14, %dot_general3A_15 {dimension_numbers = #tpu.dot_dimension_numbers<[1], [0], [0], [1], [0, 0, 1, 1], [], []>, transpose_lhs_hint = false} : vector<512x64xf32>, vector<64x64xf32>, vector<512x64xf32> -> vector<512x64xf32>
    %get3A_17 = arith.constant 0 : index
    %get3A_18 = arith.constant 0 : index
    %get3A_19 = vector.load %arg8[%get3A_17, %get3A_18] : memref<1x64xf32, #tpu.memory_space<vmem>>, vector<1x64xf32>
    %add3A_20 = vector.broadcast %get3A_19 : vector<1x64xf32> to vector<512x64xf32>
    %add3A_21 = arith.addf %dot_general3A_16, %add3A_20 : vector<512x64xf32>
    %swap3A_22 = arith.constant 0 : index
    %swap3A_23 = arith.constant 0 : index
    %swap3A_24 = vector.load %arg13[%swap3A_22, %swap3A_23] : memref<512x64xf32, #tpu.memory_space<vmem>>, vector<512x64xf32>
    tpu.vector_store %arg13[%swap3A_22, %swap3A_23], %add3A_21 {strides = array<i32>} : memref<512x64xf32, #tpu.memory_space<vmem>>, vector<512x64xf32>,
    %get3A_25 = arith.constant 0 : index
    %get3A_26 = arith.constant 0 : index
    %get3A_27 = vector.load %arg9[%get3A_25, %get3A_26] : memref<64x64xf32, #tpu.memory_space<vmem>>, vector<64x64xf32>
    %dot_general3A_28 = arith.constant dense<0.000000e+00> : vector<512x64xf32>
    %dot_general3A_29 = tpu.matmul %get3A_1, %get3A_27, %dot_general3A_28 {dimension_numbers = #tpu.dot_dimension_numbers<[1], [0], [0], [1], [0, 0, 1, 1], [], []>, transpose_lhs_hint = false} : vector<512x64xf32>, vector<64x64xf32>, vector<512x64xf32> -> vector<512x64xf32>
    %get3A_30 = arith.constant 0 : index
    %get3A_31 = arith.constant 0 : index
    %get3A_32 = vector.load %arg10[%get3A_30, %get3A_31] : memref<1x64xf32, #tpu.memory_space<vmem>>, vector<1x64xf32>
    %add3A_33 = vector.broadcast %get3A_32 : vector<1x64xf32> to vector<512x64xf32>
    %add3A_34 = arith.addf %dot_general3A_29, %add3A_33 : vector<512x64xf32>
    %swap3A_35 = arith.constant 0 : index
    %swap3A_36 = arith.constant 0 : index
    %swap3A_37 = vector.load %arg14[%swap3A_35, %swap3A_36] : memref<512x64xf32, #tpu.memory_space<vmem>>, vector<512x64xf32>
    tpu.vector_store %arg14[%swap3A_35, %swap3A_36], %add3A_34 {strides = array<i32>} : memref<512x64xf32, #tpu.memory_space<vmem>>, vector<512x64xf32>,
    %get3A_38 = arith.constant 0 : index
    %get3A_39 = arith.constant 0 : index
    %get3A_40 = vector.load %arg2[%get3A_38, %get3A_39] : memref<512x3xf32, #tpu.memory_space<vmem>>, vector<512x3xf32>
    %get3A_41 = arith.constant 0 : index
    %get3A_42 = arith.constant 0 : index
    %get3A_43 = vector.load %arg3[%get3A_41, %get3A_42] : memref<3x2048xf32, #tpu.memory_space<vmem>>, vector<3x2048xf32>
    %mul3A = arith.mulf %get3A_40, %get3A_40 : vector<512x3xf32>
    %reduce_sum3A = arith.constant dense<0.000000e+00> : vector<512xf32>
    %reduce_sum3A_44 = vector.multi_reduction <add>, %mul3A, %reduce_sum3A [1] : vector<512x3xf32> to vector<512xf32>
    %broadcast_in_dim3A = vector.shape_cast %reduce_sum3A_44 : vector<512xf32> to vector<512x1xf32>
    %mul3A_45 = arith.mulf %get3A_43, %get3A_43 : vector<3x2048xf32>
    %reduce_sum3A_46 = arith.constant dense<0.000000e+00> : vector<2048xf32>
    %reduce_sum3A_47 = vector.multi_reduction <add>, %mul3A_45, %reduce_sum3A_46 [0] : vector<3x2048xf32> to vector<2048xf32>
    %broadcast_in_dim3A_48 = vector.shape_cast %reduce_sum3A_47 : vector<2048xf32> to vector<1x2048xf32>
    %dot_general3A_49 = arith.constant dense<0.000000e+00> : vector<512x2048xf32>
    %dot_general3A_50 = tpu.matmul %get3A_40, %get3A_43, %dot_general3A_49 {dimension_numbers = #tpu.dot_dimension_numbers<[1], [0], [0], [1], [0, 0, 1, 1], [], []>, transpose_lhs_hint = false} : vector<512x3xf32>, vector<3x2048xf32>, vector<512x2048xf32> -> vector<512x2048xf32>
    %add3A_51 = vector.broadcast %broadcast_in_dim3A : vector<512x1xf32> to vector<512x2048xf32>
    %add3A_52 = vector.broadcast %broadcast_in_dim3A_48 : vector<1x2048xf32> to vector<512x2048xf32>
    %add3A_53 = arith.addf %add3A_51, %add3A_52 : vector<512x2048xf32>
    %mul3A_54 = arith.constant 2.000000e+00 : f32
    %mul3A_55 = vector.broadcast %mul3A_54 : f32 to vector<512x2048xf32>
    %mul3A_56 = arith.mulf %mul3A_55, %dot_general3A_50 : vector<512x2048xf32>
    %sub3A = arith.subf %add3A_53, %mul3A_56 : vector<512x2048xf32>
    %iota3A = tpu.iota {dimensions = array<i32: 1>} : vector<512x2048xi32>
    %iota3A_57 = tpu.iota {dimensions = array<i32: 1>} : vector<512x16xi32>
    %broadcast_in_dim3A_58 = arith.constant 0 : i32
    %broadcast_in_dim3A_59 = vector.broadcast %broadcast_in_dim3A_58 : i32 to vector<512x16xi32>
    %reduce_min3A = arith.constant dense<0x7F800000> : vector<512xf32>
    %reduce_min3A_60 = vector.multi_reduction <minimumf>, %sub3A, %reduce_min3A [1] : vector<512x2048xf32> to vector<512xf32>
    %broadcast_in_dim3A_61 = vector.shape_cast %reduce_min3A_60 : vector<512xf32> to vector<512x1xf32>
    %le3A = vector.broadcast %broadcast_in_dim3A_61 : vector<512x1xf32> to vector<512x2048xf32>
    %le3A_62 = arith.cmpf ole, %sub3A, %le3A : vector<512x2048xf32>
    %jit3A = arith.constant 2048 : i32
    %broadcast_in_dim3A_63 = vector.broadcast %jit3A : i32 to vector<512x2048xi32>
    %select_n3A = arith.select %le3A_62, %iota3A, %broadcast_in_dim3A_63 : vector<512x2048xi1>, vector<512x2048xi32>
    %reduce_min3A_64 = arith.constant dense<2147483647> : vector<512xi32>
    %reduce_min3A_65 = vector.multi_reduction <minsi>, %select_n3A, %reduce_min3A_64 [1] : vector<512x2048xi32> to vector<512xi32>
    %broadcast_in_dim3A_66 = vector.shape_cast %reduce_min3A_65 : vector<512xi32> to vector<512x1xi32>
    %eq3A = vector.broadcast %broadcast_in_dim3A_66 : vector<512x1xi32> to vector<512x2048xi32>
    %eq3A_67 = arith.cmpi eq, %iota3A, %eq3A : vector<512x2048xi32>
    %jit3A_68 = arith.constant 3.000000e+38 : f32
    %broadcast_in_dim3A_69 = vector.broadcast %jit3A_68 : f32 to vector<512x2048xf32>
    %select_n3A_70 = arith.select %eq3A_67, %broadcast_in_dim3A_69, %sub3A : vector<512x2048xi1>, vector<512x2048xf32>
    %eq3A_71 = arith.constant 0 : i32
    %eq3A_72 = vector.broadcast %eq3A_71 : i32 to vector<512x16xi32>
    %eq3A_73 = arith.cmpi eq, %iota3A_57, %eq3A_72 : vector<512x16xi32>
    %jit3A_74 = arith.constant 0 : i32
    %broadcast_in_dim3A_75 = vector.shape_cast %broadcast_in_dim3A_66 : vector<512x1xi32> to vector<512x1xi32>
    %broadcast_in_dim3A_76 = vector.broadcast %broadcast_in_dim3A_75 : vector<512x1xi32> to vector<512x16xi32>
    %broadcast_in_dim3A_77 = vector.broadcast %jit3A_74 : i32 to vector<512x16xi32>
    %select_n3A_78 = arith.select %eq3A_73, %broadcast_in_dim3A_76, %broadcast_in_dim3A_77 : vector<512x16xi1>, vector<512x16xi32>
    %add3A_79 = arith.addi %broadcast_in_dim3A_59, %select_n3A_78 : vector<512x16xi32>
    %reduce_min3A_80 = arith.constant dense<0x7F800000> : vector<512xf32>
    %reduce_min3A_81 = vector.multi_reduction <minimumf>, %select_n3A_70, %reduce_min3A_80 [1] : vector<512x2048xf32> to vector<512xf32>
    %broadcast_in_dim3A_82 = vector.shape_cast %reduce_min3A_81 : vector<512xf32> to vector<512x1xf32>
    %le3A_83 = vector.broadcast %broadcast_in_dim3A_82 : vector<512x1xf32> to vector<512x2048xf32>
    %le3A_84 = arith.cmpf ole, %select_n3A_70, %le3A_83 : vector<512x2048xf32>
    %jit3A_85 = arith.constant 2048 : i32
    %broadcast_in_dim3A_86 = vector.broadcast %jit3A_85 : i32 to vector<512x2048xi32>
    %select_n3A_87 = arith.select %le3A_84, %iota3A, %broadcast_in_dim3A_86 : vector<512x2048xi1>, vector<512x2048xi32>
    %reduce_min3A_88 = arith.constant dense<2147483647> : vector<512xi32>
    %reduce_min3A_89 = vector.multi_reduction <minsi>, %select_n3A_87, %reduce_min3A_88 [1] : vector<512x2048xi32> to vector<512xi32>
    %broadcast_in_dim3A_90 = vector.shape_cast %reduce_min3A_89 : vector<512xi32> to vector<512x1xi32>
    %eq3A_91 = vector.broadcast %broadcast_in_dim3A_90 : vector<512x1xi32> to vector<512x2048xi32>
    %eq3A_92 = arith.cmpi eq, %iota3A, %eq3A_91 : vector<512x2048xi32>
    %jit3A_93 = arith.constant 3.000000e+38 : f32
    %broadcast_in_dim3A_94 = vector.broadcast %jit3A_93 : f32 to vector<512x2048xf32>
    %select_n3A_95 = arith.select %eq3A_92, %broadcast_in_dim3A_94, %select_n3A_70 : vector<512x2048xi1>, vector<512x2048xf32>
    %eq3A_96 = arith.constant 1 : i32
    %eq3A_97 = vector.broadcast %eq3A_96 : i32 to vector<512x16xi32>
    %eq3A_98 = arith.cmpi eq, %iota3A_57, %eq3A_97 : vector<512x16xi32>
    %jit3A_99 = arith.constant 0 : i32
    %broadcast_in_dim3A_100 = vector.shape_cast %broadcast_in_dim3A_90 : vector<512x1xi32> to vector<512x1xi32>
    %broadcast_in_dim3A_101 = vector.broadcast %broadcast_in_dim3A_100 : vector<512x1xi32> to vector<512x16xi32>
    %broadcast_in_dim3A_102 = vector.broadcast %jit3A_99 : i32 to vector<512x16xi32>
    %select_n3A_103 = arith.select %eq3A_98, %broadcast_in_dim3A_101, %broadcast_in_dim3A_102 : vector<512x16xi1>, vector<512x16xi32>
    %add3A_104 = arith.addi %add3A_79, %select_n3A_103 : vector<512x16xi32>
    %reduce_min3A_105 = arith.constant dense<0x7F800000> : vector<512xf32>
    %reduce_min3A_106 = vector.multi_reduction <minimumf>, %select_n3A_95, %reduce_min3A_105 [1] : vector<512x2048xf32> to vector<512xf32>
    %broadcast_in_dim3A_107 = vector.shape_cast %reduce_min3A_106 : vector<512xf32> to vector<512x1xf32>
    %le3A_108 = vector.broadcast %broadcast_in_dim3A_107 : vector<512x1xf32> to vector<512x2048xf32>
    %le3A_109 = arith.cmpf ole, %select_n3A_95, %le3A_108 : vector<512x2048xf32>
    %jit3A_110 = arith.constant 2048 : i32
    %broadcast_in_dim3A_111 = vector.broadcast %jit3A_110 : i32 to vector<512x2048xi32>
    %select_n3A_112 = arith.select %le3A_109, %iota3A, %broadcast_in_dim3A_111 : vector<512x2048xi1>, vector<512x2048xi32>
    %reduce_min3A_113 = arith.constant dense<2147483647> : vector<512xi32>
    %reduce_min3A_114 = vector.multi_reduction <minsi>, %select_n3A_112, %reduce_min3A_113 [1] : vector<512x2048xi32> to vector<512xi32>
    %broadcast_in_dim3A_115 = vector.shape_cast %reduce_min3A_114 : vector<512xi32> to vector<512x1xi32>
    %eq3A_116 = vector.broadcast %broadcast_in_dim3A_115 : vector<512x1xi32> to vector<512x2048xi32>
    %eq3A_117 = arith.cmpi eq, %iota3A, %eq3A_116 : vector<512x2048xi32>
    %jit3A_118 = arith.constant 3.000000e+38 : f32
    %broadcast_in_dim3A_119 = vector.broadcast %jit3A_118 : f32 to vector<512x2048xf32>
    %select_n3A_120 = arith.select %eq3A_117, %broadcast_in_dim3A_119, %select_n3A_95 : vector<512x2048xi1>, vector<512x2048xf32>
    %eq3A_121 = arith.constant 2 : i32
    %eq3A_122 = vector.broadcast %eq3A_121 : i32 to vector<512x16xi32>
    %eq3A_123 = arith.cmpi eq, %iota3A_57, %eq3A_122 : vector<512x16xi32>
    %jit3A_124 = arith.constant 0 : i32
    %broadcast_in_dim3A_125 = vector.shape_cast %broadcast_in_dim3A_115 : vector<512x1xi32> to vector<512x1xi32>
    %broadcast_in_dim3A_126 = vector.broadcast %broadcast_in_dim3A_125 : vector<512x1xi32> to vector<512x16xi32>
    %broadcast_in_dim3A_127 = vector.broadcast %jit3A_124 : i32 to vector<512x16xi32>
    %select_n3A_128 = arith.select %eq3A_123, %broadcast_in_dim3A_126, %broadcast_in_dim3A_127 : vector<512x16xi1>, vector<512x16xi32>
    %add3A_129 = arith.addi %add3A_104, %select_n3A_128 : vector<512x16xi32>
    %reduce_min3A_130 = arith.constant dense<0x7F800000> : vector<512xf32>
    %reduce_min3A_131 = vector.multi_reduction <minimumf>, %select_n3A_120, %reduce_min3A_130 [1] : vector<512x2048xf32> to vector<512xf32>
    %broadcast_in_dim3A_132 = vector.shape_cast %reduce_min3A_131 : vector<512xf32> to vector<512x1xf32>
    %le3A_133 = vector.broadcast %broadcast_in_dim3A_132 : vector<512x1xf32> to vector<512x2048xf32>
    %le3A_134 = arith.cmpf ole, %select_n3A_120, %le3A_133 : vector<512x2048xf32>
    %jit3A_135 = arith.constant 2048 : i32
    %broadcast_in_dim3A_136 = vector.broadcast %jit3A_135 : i32 to vector<512x2048xi32>
    %select_n3A_137 = arith.select %le3A_134, %iota3A, %broadcast_in_dim3A_136 : vector<512x2048xi1>, vector<512x2048xi32>
    %reduce_min3A_138 = arith.constant dense<2147483647> : vector<512xi32>
    %reduce_min3A_139 = vector.multi_reduction <minsi>, %select_n3A_137, %reduce_min3A_138 [1] : vector<512x2048xi32> to vector<512xi32>
    %broadcast_in_dim3A_140 = vector.shape_cast %reduce_min3A_139 : vector<512xi32> to vector<512x1xi32>
    %eq3A_141 = vector.broadcast %broadcast_in_dim3A_140 : vector<512x1xi32> to vector<512x2048xi32>
    %eq3A_142 = arith.cmpi eq, %iota3A, %eq3A_141 : vector<512x2048xi32>
    %jit3A_143 = arith.constant 3.000000e+38 : f32
    %broadcast_in_dim3A_144 = vector.broadcast %jit3A_143 : f32 to vector<512x2048xf32>
    %select_n3A_145 = arith.select %eq3A_142, %broadcast_in_dim3A_144, %select_n3A_120 : vector<512x2048xi1>, vector<512x2048xf32>
    %eq3A_146 = arith.constant 3 : i32
    %eq3A_147 = vector.broadcast %eq3A_146 : i32 to vector<512x16xi32>
    %eq3A_148 = arith.cmpi eq, %iota3A_57, %eq3A_147 : vector<512x16xi32>
    %jit3A_149 = arith.constant 0 : i32
    %broadcast_in_dim3A_150 = vector.shape_cast %broadcast_in_dim3A_140 : vector<512x1xi32> to vector<512x1xi32>
    %broadcast_in_dim3A_151 = vector.broadcast %broadcast_in_dim3A_150 : vector<512x1xi32> to vector<512x16xi32>
    %broadcast_in_dim3A_152 = vector.broadcast %jit3A_149 : i32 to vector<512x16xi32>
    %select_n3A_153 = arith.select %eq3A_148, %broadcast_in_dim3A_151, %broadcast_in_dim3A_152 : vector<512x16xi1>, vector<512x16xi32>
    %add3A_154 = arith.addi %add3A_129, %select_n3A_153 : vector<512x16xi32>
    %reduce_min3A_155 = arith.constant dense<0x7F800000> : vector<512xf32>
    %reduce_min3A_156 = vector.multi_reduction <minimumf>, %select_n3A_145, %reduce_min3A_155 [1] : vector<512x2048xf32> to vector<512xf32>
    %broadcast_in_dim3A_157 = vector.shape_cast %reduce_min3A_156 : vector<512xf32> to vector<512x1xf32>
    %le3A_158 = vector.broadcast %broadcast_in_dim3A_157 : vector<512x1xf32> to vector<512x2048xf32>
    %le3A_159 = arith.cmpf ole, %select_n3A_145, %le3A_158 : vector<512x2048xf32>
    %jit3A_160 = arith.constant 2048 : i32
    %broadcast_in_dim3A_161 = vector.broadcast %jit3A_160 : i32 to vector<512x2048xi32>
    %select_n3A_162 = arith.select %le3A_159, %iota3A, %broadcast_in_dim3A_161 : vector<512x2048xi1>, vector<512x2048xi32>
    %reduce_min3A_163 = arith.constant dense<2147483647> : vector<512xi32>
    %reduce_min3A_164 = vector.multi_reduction <minsi>, %select_n3A_162, %reduce_min3A_163 [1] : vector<512x2048xi32> to vector<512xi32>
    %broadcast_in_dim3A_165 = vector.shape_cast %reduce_min3A_164 : vector<512xi32> to vector<512x1xi32>
    %eq3A_166 = vector.broadcast %broadcast_in_dim3A_165 : vector<512x1xi32> to vector<512x2048xi32>
    %eq3A_167 = arith.cmpi eq, %iota3A, %eq3A_166 : vector<512x2048xi32>
    %jit3A_168 = arith.constant 3.000000e+38 : f32
    %broadcast_in_dim3A_169 = vector.broadcast %jit3A_168 : f32 to vector<512x2048xf32>
    %select_n3A_170 = arith.select %eq3A_167, %broadcast_in_dim3A_169, %select_n3A_145 : vector<512x2048xi1>, vector<512x2048xf32>
    %eq3A_171 = arith.constant 4 : i32
    %eq3A_172 = vector.broadcast %eq3A_171 : i32 to vector<512x16xi32>
    %eq3A_173 = arith.cmpi eq, %iota3A_57, %eq3A_172 : vector<512x16xi32>
    %jit3A_174 = arith.constant 0 : i32
    %broadcast_in_dim3A_175 = vector.shape_cast %broadcast_in_dim3A_165 : vector<512x1xi32> to vector<512x1xi32>
    %broadcast_in_dim3A_176 = vector.broadcast %broadcast_in_dim3A_175 : vector<512x1xi32> to vector<512x16xi32>
    %broadcast_in_dim3A_177 = vector.broadcast %jit3A_174 : i32 to vector<512x16xi32>
    %select_n3A_178 = arith.select %eq3A_173, %broadcast_in_dim3A_176, %broadcast_in_dim3A_177 : vector<512x16xi1>, vector<512x16xi32>
    %add3A_179 = arith.addi %add3A_154, %select_n3A_178 : vector<512x16xi32>
    %reduce_min3A_180 = arith.constant dense<0x7F800000> : vector<512xf32>
    %reduce_min3A_181 = vector.multi_reduction <minimumf>, %select_n3A_170, %reduce_min3A_180 [1] : vector<512x2048xf32> to vector<512xf32>
    %broadcast_in_dim3A_182 = vector.shape_cast %reduce_min3A_181 : vector<512xf32> to vector<512x1xf32>
    %le3A_183 = vector.broadcast %broadcast_in_dim3A_182 : vector<512x1xf32> to vector<512x2048xf32>
    %le3A_184 = arith.cmpf ole, %select_n3A_170, %le3A_183 : vector<512x2048xf32>
    %jit3A_185 = arith.constant 2048 : i32
    %broadcast_in_dim3A_186 = vector.broadcast %jit3A_185 : i32 to vector<512x2048xi32>
    %select_n3A_187 = arith.select %le3A_184, %iota3A, %broadcast_in_dim3A_186 : vector<512x2048xi1>, vector<512x2048xi32>
    %reduce_min3A_188 = arith.constant dense<2147483647> : vector<512xi32>
    %reduce_min3A_189 = vector.multi_reduction <minsi>, %select_n3A_187, %reduce_min3A_188 [1] : vector<512x2048xi32> to vector<512xi32>
    %broadcast_in_dim3A_190 = vector.shape_cast %reduce_min3A_189 : vector<512xi32> to vector<512x1xi32>
    %eq3A_191 = vector.broadcast %broadcast_in_dim3A_190 : vector<512x1xi32> to vector<512x2048xi32>
    %eq3A_192 = arith.cmpi eq, %iota3A, %eq3A_191 : vector<512x2048xi32>
    %jit3A_193 = arith.constant 3.000000e+38 : f32
    %broadcast_in_dim3A_194 = vector.broadcast %jit3A_193 : f32 to vector<512x2048xf32>
    %select_n3A_195 = arith.select %eq3A_192, %broadcast_in_dim3A_194, %select_n3A_170 : vector<512x2048xi1>, vector<512x2048xf32>
    %eq3A_196 = arith.constant 5 : i32
    %eq3A_197 = vector.broadcast %eq3A_196 : i32 to vector<512x16xi32>
    %eq3A_198 = arith.cmpi eq, %iota3A_57, %eq3A_197 : vector<512x16xi32>
    %jit3A_199 = arith.constant 0 : i32
    %broadcast_in_dim3A_200 = vector.shape_cast %broadcast_in_dim3A_190 : vector<512x1xi32> to vector<512x1xi32>
    %broadcast_in_dim3A_201 = vector.broadcast %broadcast_in_dim3A_200 : vector<512x1xi32> to vector<512x16xi32>
    %broadcast_in_dim3A_202 = vector.broadcast %jit3A_199 : i32 to vector<512x16xi32>
    %select_n3A_203 = arith.select %eq3A_198, %broadcast_in_dim3A_201, %broadcast_in_dim3A_202 : vector<512x16xi1>, vector<512x16xi32>
    %add3A_204 = arith.addi %add3A_179, %select_n3A_203 : vector<512x16xi32>
    %reduce_min3A_205 = arith.constant dense<0x7F800000> : vector<512xf32>
    %reduce_min3A_206 = vector.multi_reduction <minimumf>, %select_n3A_195, %reduce_min3A_205 [1] : vector<512x2048xf32> to vector<512xf32>
    %broadcast_in_dim3A_207 = vector.shape_cast %reduce_min3A_206 : vector<512xf32> to vector<512x1xf32>
    %le3A_208 = vector.broadcast %broadcast_in_dim3A_207 : vector<512x1xf32> to vector<512x2048xf32>
    %le3A_209 = arith.cmpf ole, %select_n3A_195, %le3A_208 : vector<512x2048xf32>
    %jit3A_210 = arith.constant 2048 : i32
    %broadcast_in_dim3A_211 = vector.broadcast %jit3A_210 : i32 to vector<512x2048xi32>
    %select_n3A_212 = arith.select %le3A_209, %iota3A, %broadcast_in_dim3A_211 : vector<512x2048xi1>, vector<512x2048xi32>
    %reduce_min3A_213 = arith.constant dense<2147483647> : vector<512xi32>
    %reduce_min3A_214 = vector.multi_reduction <minsi>, %select_n3A_212, %reduce_min3A_213 [1] : vector<512x2048xi32> to vector<512xi32>
    %broadcast_in_dim3A_215 = vector.shape_cast %reduce_min3A_214 : vector<512xi32> to vector<512x1xi32>
    %eq3A_216 = vector.broadcast %broadcast_in_dim3A_215 : vector<512x1xi32> to vector<512x2048xi32>
    %eq3A_217 = arith.cmpi eq, %iota3A, %eq3A_216 : vector<512x2048xi32>
    %jit3A_218 = arith.constant 3.000000e+38 : f32
    %broadcast_in_dim3A_219 = vector.broadcast %jit3A_218 : f32 to vector<512x2048xf32>
    %select_n3A_220 = arith.select %eq3A_217, %broadcast_in_dim3A_219, %select_n3A_195 : vector<512x2048xi1>, vector<512x2048xf32>
    %eq3A_221 = arith.constant 6 : i32
    %eq3A_222 = vector.broadcast %eq3A_221 : i32 to vector<512x16xi32>
    %eq3A_223 = arith.cmpi eq, %iota3A_57, %eq3A_222 : vector<512x16xi32>
    %jit3A_224 = arith.constant 0 : i32
    %broadcast_in_dim3A_225 = vector.shape_cast %broadcast_in_dim3A_215 : vector<512x1xi32> to vector<512x1xi32>
    %broadcast_in_dim3A_226 = vector.broadcast %broadcast_in_dim3A_225 : vector<512x1xi32> to vector<512x16xi32>
    %broadcast_in_dim3A_227 = vector.broadcast %jit3A_224 : i32 to vector<512x16xi32>
    %select_n3A_228 = arith.select %eq3A_223, %broadcast_in_dim3A_226, %broadcast_in_dim3A_227 : vector<512x16xi1>, vector<512x16xi32>
    %add3A_229 = arith.addi %add3A_204, %select_n3A_228 : vector<512x16xi32>
    %reduce_min3A_230 = arith.constant dense<0x7F800000> : vector<512xf32>
    %reduce_min3A_231 = vector.multi_reduction <minimumf>, %select_n3A_220, %reduce_min3A_230 [1] : vector<512x2048xf32> to vector<512xf32>
    %broadcast_in_dim3A_232 = vector.shape_cast %reduce_min3A_231 : vector<512xf32> to vector<512x1xf32>
    %le3A_233 = vector.broadcast %broadcast_in_dim3A_232 : vector<512x1xf32> to vector<512x2048xf32>
    %le3A_234 = arith.cmpf ole, %select_n3A_220, %le3A_233 : vector<512x2048xf32>
    %jit3A_235 = arith.constant 2048 : i32
    %broadcast_in_dim3A_236 = vector.broadcast %jit3A_235 : i32 to vector<512x2048xi32>
    %select_n3A_237 = arith.select %le3A_234, %iota3A, %broadcast_in_dim3A_236 : vector<512x2048xi1>, vector<512x2048xi32>
    %reduce_min3A_238 = arith.constant dense<2147483647> : vector<512xi32>
    %reduce_min3A_239 = vector.multi_reduction <minsi>, %select_n3A_237, %reduce_min3A_238 [1] : vector<512x2048xi32> to vector<512xi32>
    %broadcast_in_dim3A_240 = vector.shape_cast %reduce_min3A_239 : vector<512xi32> to vector<512x1xi32>
    %eq3A_241 = vector.broadcast %broadcast_in_dim3A_240 : vector<512x1xi32> to vector<512x2048xi32>
    %eq3A_242 = arith.cmpi eq, %iota3A, %eq3A_241 : vector<512x2048xi32>
    %jit3A_243 = arith.constant 3.000000e+38 : f32
    %broadcast_in_dim3A_244 = vector.broadcast %jit3A_243 : f32 to vector<512x2048xf32>
    %select_n3A_245 = arith.select %eq3A_242, %broadcast_in_dim3A_244, %select_n3A_220 : vector<512x2048xi1>, vector<512x2048xf32>
    %eq3A_246 = arith.constant 7 : i32
    %eq3A_247 = vector.broadcast %eq3A_246 : i32 to vector<512x16xi32>
    %eq3A_248 = arith.cmpi eq, %iota3A_57, %eq3A_247 : vector<512x16xi32>
    %jit3A_249 = arith.constant 0 : i32
    %broadcast_in_dim3A_250 = vector.shape_cast %broadcast_in_dim3A_240 : vector<512x1xi32> to vector<512x1xi32>
    %broadcast_in_dim3A_251 = vector.broadcast %broadcast_in_dim3A_250 : vector<512x1xi32> to vector<512x16xi32>
    %broadcast_in_dim3A_252 = vector.broadcast %jit3A_249 : i32 to vector<512x16xi32>
    %select_n3A_253 = arith.select %eq3A_248, %broadcast_in_dim3A_251, %broadcast_in_dim3A_252 : vector<512x16xi1>, vector<512x16xi32>
    %add3A_254 = arith.addi %add3A_229, %select_n3A_253 : vector<512x16xi32>
    %reduce_min3A_255 = arith.constant dense<0x7F800000> : vector<512xf32>
    %reduce_min3A_256 = vector.multi_reduction <minimumf>, %select_n3A_245, %reduce_min3A_255 [1] : vector<512x2048xf32> to vector<512xf32>
    %broadcast_in_dim3A_257 = vector.shape_cast %reduce_min3A_256 : vector<512xf32> to vector<512x1xf32>
    %le3A_258 = vector.broadcast %broadcast_in_dim3A_257 : vector<512x1xf32> to vector<512x2048xf32>
    %le3A_259 = arith.cmpf ole, %select_n3A_245, %le3A_258 : vector<512x2048xf32>
    %jit3A_260 = arith.constant 2048 : i32
    %broadcast_in_dim3A_261 = vector.broadcast %jit3A_260 : i32 to vector<512x2048xi32>
    %select_n3A_262 = arith.select %le3A_259, %iota3A, %broadcast_in_dim3A_261 : vector<512x2048xi1>, vector<512x2048xi32>
    %reduce_min3A_263 = arith.constant dense<2147483647> : vector<512xi32>
    %reduce_min3A_264 = vector.multi_reduction <minsi>, %select_n3A_262, %reduce_min3A_263 [1] : vector<512x2048xi32> to vector<512xi32>
    %broadcast_in_dim3A_265 = vector.shape_cast %reduce_min3A_264 : vector<512xi32> to vector<512x1xi32>
    %eq3A_266 = vector.broadcast %broadcast_in_dim3A_265 : vector<512x1xi32> to vector<512x2048xi32>
    %eq3A_267 = arith.cmpi eq, %iota3A, %eq3A_266 : vector<512x2048xi32>
    %jit3A_268 = arith.constant 3.000000e+38 : f32
    %broadcast_in_dim3A_269 = vector.broadcast %jit3A_268 : f32 to vector<512x2048xf32>
    %select_n3A_270 = arith.select %eq3A_267, %broadcast_in_dim3A_269, %select_n3A_245 : vector<512x2048xi1>, vector<512x2048xf32>
    %eq3A_271 = arith.constant 8 : i32
    %eq3A_272 = vector.broadcast %eq3A_271 : i32 to vector<512x16xi32>
    %eq3A_273 = arith.cmpi eq, %iota3A_57, %eq3A_272 : vector<512x16xi32>
    %jit3A_274 = arith.constant 0 : i32
    %broadcast_in_dim3A_275 = vector.shape_cast %broadcast_in_dim3A_265 : vector<512x1xi32> to vector<512x1xi32>
    %broadcast_in_dim3A_276 = vector.broadcast %broadcast_in_dim3A_275 : vector<512x1xi32> to vector<512x16xi32>
    %broadcast_in_dim3A_277 = vector.broadcast %jit3A_274 : i32 to vector<512x16xi32>
    %select_n3A_278 = arith.select %eq3A_273, %broadcast_in_dim3A_276, %broadcast_in_dim3A_277 : vector<512x16xi1>, vector<512x16xi32>
    %add3A_279 = arith.addi %add3A_254, %select_n3A_278 : vector<512x16xi32>
    %reduce_min3A_280 = arith.constant dense<0x7F800000> : vector<512xf32>
    %reduce_min3A_281 = vector.multi_reduction <minimumf>, %select_n3A_270, %reduce_min3A_280 [1] : vector<512x2048xf32> to vector<512xf32>
    %broadcast_in_dim3A_282 = vector.shape_cast %reduce_min3A_281 : vector<512xf32> to vector<512x1xf32>
    %le3A_283 = vector.broadcast %broadcast_in_dim3A_282 : vector<512x1xf32> to vector<512x2048xf32>
    %le3A_284 = arith.cmpf ole, %select_n3A_270, %le3A_283 : vector<512x2048xf32>
    %jit3A_285 = arith.constant 2048 : i32
    %broadcast_in_dim3A_286 = vector.broadcast %jit3A_285 : i32 to vector<512x2048xi32>
    %select_n3A_287 = arith.select %le3A_284, %iota3A, %broadcast_in_dim3A_286 : vector<512x2048xi1>, vector<512x2048xi32>
    %reduce_min3A_288 = arith.constant dense<2147483647> : vector<512xi32>
    %reduce_min3A_289 = vector.multi_reduction <minsi>, %select_n3A_287, %reduce_min3A_288 [1] : vector<512x2048xi32> to vector<512xi32>
    %broadcast_in_dim3A_290 = vector.shape_cast %reduce_min3A_289 : vector<512xi32> to vector<512x1xi32>
    %eq3A_291 = vector.broadcast %broadcast_in_dim3A_290 : vector<512x1xi32> to vector<512x2048xi32>
    %eq3A_292 = arith.cmpi eq, %iota3A, %eq3A_291 : vector<512x2048xi32>
    %jit3A_293 = arith.constant 3.000000e+38 : f32
    %broadcast_in_dim3A_294 = vector.broadcast %jit3A_293 : f32 to vector<512x2048xf32>
    %select_n3A_295 = arith.select %eq3A_292, %broadcast_in_dim3A_294, %select_n3A_270 : vector<512x2048xi1>, vector<512x2048xf32>
    %eq3A_296 = arith.constant 9 : i32
    %eq3A_297 = vector.broadcast %eq3A_296 : i32 to vector<512x16xi32>
    %eq3A_298 = arith.cmpi eq, %iota3A_57, %eq3A_297 : vector<512x16xi32>
    %jit3A_299 = arith.constant 0 : i32
    %broadcast_in_dim3A_300 = vector.shape_cast %broadcast_in_dim3A_290 : vector<512x1xi32> to vector<512x1xi32>
    %broadcast_in_dim3A_301 = vector.broadcast %broadcast_in_dim3A_300 : vector<512x1xi32> to vector<512x16xi32>
    %broadcast_in_dim3A_302 = vector.broadcast %jit3A_299 : i32 to vector<512x16xi32>
    %select_n3A_303 = arith.select %eq3A_298, %broadcast_in_dim3A_301, %broadcast_in_dim3A_302 : vector<512x16xi1>, vector<512x16xi32>
    %add3A_304 = arith.addi %add3A_279, %select_n3A_303 : vector<512x16xi32>
    %reduce_min3A_305 = arith.constant dense<0x7F800000> : vector<512xf32>
    %reduce_min3A_306 = vector.multi_reduction <minimumf>, %select_n3A_295, %reduce_min3A_305 [1] : vector<512x2048xf32> to vector<512xf32>
    %broadcast_in_dim3A_307 = vector.shape_cast %reduce_min3A_306 : vector<512xf32> to vector<512x1xf32>
    %le3A_308 = vector.broadcast %broadcast_in_dim3A_307 : vector<512x1xf32> to vector<512x2048xf32>
    %le3A_309 = arith.cmpf ole, %select_n3A_295, %le3A_308 : vector<512x2048xf32>
    %jit3A_310 = arith.constant 2048 : i32
    %broadcast_in_dim3A_311 = vector.broadcast %jit3A_310 : i32 to vector<512x2048xi32>
    %select_n3A_312 = arith.select %le3A_309, %iota3A, %broadcast_in_dim3A_311 : vector<512x2048xi1>, vector<512x2048xi32>
    %reduce_min3A_313 = arith.constant dense<2147483647> : vector<512xi32>
    %reduce_min3A_314 = vector.multi_reduction <minsi>, %select_n3A_312, %reduce_min3A_313 [1] : vector<512x2048xi32> to vector<512xi32>
    %broadcast_in_dim3A_315 = vector.shape_cast %reduce_min3A_314 : vector<512xi32> to vector<512x1xi32>
    %eq3A_316 = vector.broadcast %broadcast_in_dim3A_315 : vector<512x1xi32> to vector<512x2048xi32>
    %eq3A_317 = arith.cmpi eq, %iota3A, %eq3A_316 : vector<512x2048xi32>
    %jit3A_318 = arith.constant 3.000000e+38 : f32
    %broadcast_in_dim3A_319 = vector.broadcast %jit3A_318 : f32 to vector<512x2048xf32>
    %select_n3A_320 = arith.select %eq3A_317, %broadcast_in_dim3A_319, %select_n3A_295 : vector<512x2048xi1>, vector<512x2048xf32>
    %eq3A_321 = arith.constant 10 : i32
    %eq3A_322 = vector.broadcast %eq3A_321 : i32 to vector<512x16xi32>
    %eq3A_323 = arith.cmpi eq, %iota3A_57, %eq3A_322 : vector<512x16xi32>
    %jit3A_324 = arith.constant 0 : i32
    %broadcast_in_dim3A_325 = vector.shape_cast %broadcast_in_dim3A_315 : vector<512x1xi32> to vector<512x1xi32>
    %broadcast_in_dim3A_326 = vector.broadcast %broadcast_in_dim3A_325 : vector<512x1xi32> to vector<512x16xi32>
    %broadcast_in_dim3A_327 = vector.broadcast %jit3A_324 : i32 to vector<512x16xi32>
    %select_n3A_328 = arith.select %eq3A_323, %broadcast_in_dim3A_326, %broadcast_in_dim3A_327 : vector<512x16xi1>, vector<512x16xi32>
    %add3A_329 = arith.addi %add3A_304, %select_n3A_328 : vector<512x16xi32>
    %reduce_min3A_330 = arith.constant dense<0x7F800000> : vector<512xf32>
    %reduce_min3A_331 = vector.multi_reduction <minimumf>, %select_n3A_320, %reduce_min3A_330 [1] : vector<512x2048xf32> to vector<512xf32>
    %broadcast_in_dim3A_332 = vector.shape_cast %reduce_min3A_331 : vector<512xf32> to vector<512x1xf32>
    %le3A_333 = vector.broadcast %broadcast_in_dim3A_332 : vector<512x1xf32> to vector<512x2048xf32>
    %le3A_334 = arith.cmpf ole, %select_n3A_320, %le3A_333 : vector<512x2048xf32>
    %jit3A_335 = arith.constant 2048 : i32
    %broadcast_in_dim3A_336 = vector.broadcast %jit3A_335 : i32 to vector<512x2048xi32>
    %select_n3A_337 = arith.select %le3A_334, %iota3A, %broadcast_in_dim3A_336 : vector<512x2048xi1>, vector<512x2048xi32>
    %reduce_min3A_338 = arith.constant dense<2147483647> : vector<512xi32>
    %reduce_min3A_339 = vector.multi_reduction <minsi>, %select_n3A_337, %reduce_min3A_338 [1] : vector<512x2048xi32> to vector<512xi32>
    %broadcast_in_dim3A_340 = vector.shape_cast %reduce_min3A_339 : vector<512xi32> to vector<512x1xi32>
    %eq3A_341 = vector.broadcast %broadcast_in_dim3A_340 : vector<512x1xi32> to vector<512x2048xi32>
    %eq3A_342 = arith.cmpi eq, %iota3A, %eq3A_341 : vector<512x2048xi32>
    %jit3A_343 = arith.constant 3.000000e+38 : f32
    %broadcast_in_dim3A_344 = vector.broadcast %jit3A_343 : f32 to vector<512x2048xf32>
    %select_n3A_345 = arith.select %eq3A_342, %broadcast_in_dim3A_344, %select_n3A_320 : vector<512x2048xi1>, vector<512x2048xf32>
    %eq3A_346 = arith.constant 11 : i32
    %eq3A_347 = vector.broadcast %eq3A_346 : i32 to vector<512x16xi32>
    %eq3A_348 = arith.cmpi eq, %iota3A_57, %eq3A_347 : vector<512x16xi32>
    %jit3A_349 = arith.constant 0 : i32
    %broadcast_in_dim3A_350 = vector.shape_cast %broadcast_in_dim3A_340 : vector<512x1xi32> to vector<512x1xi32>
    %broadcast_in_dim3A_351 = vector.broadcast %broadcast_in_dim3A_350 : vector<512x1xi32> to vector<512x16xi32>
    %broadcast_in_dim3A_352 = vector.broadcast %jit3A_349 : i32 to vector<512x16xi32>
    %select_n3A_353 = arith.select %eq3A_348, %broadcast_in_dim3A_351, %broadcast_in_dim3A_352 : vector<512x16xi1>, vector<512x16xi32>
    %add3A_354 = arith.addi %add3A_329, %select_n3A_353 : vector<512x16xi32>
    %reduce_min3A_355 = arith.constant dense<0x7F800000> : vector<512xf32>
    %reduce_min3A_356 = vector.multi_reduction <minimumf>, %select_n3A_345, %reduce_min3A_355 [1] : vector<512x2048xf32> to vector<512xf32>
    %broadcast_in_dim3A_357 = vector.shape_cast %reduce_min3A_356 : vector<512xf32> to vector<512x1xf32>
    %le3A_358 = vector.broadcast %broadcast_in_dim3A_357 : vector<512x1xf32> to vector<512x2048xf32>
    %le3A_359 = arith.cmpf ole, %select_n3A_345, %le3A_358 : vector<512x2048xf32>
    %jit3A_360 = arith.constant 2048 : i32
    %broadcast_in_dim3A_361 = vector.broadcast %jit3A_360 : i32 to vector<512x2048xi32>
    %select_n3A_362 = arith.select %le3A_359, %iota3A, %broadcast_in_dim3A_361 : vector<512x2048xi1>, vector<512x2048xi32>
    %reduce_min3A_363 = arith.constant dense<2147483647> : vector<512xi32>
    %reduce_min3A_364 = vector.multi_reduction <minsi>, %select_n3A_362, %reduce_min3A_363 [1] : vector<512x2048xi32> to vector<512xi32>
    %broadcast_in_dim3A_365 = vector.shape_cast %reduce_min3A_364 : vector<512xi32> to vector<512x1xi32>
    %eq3A_366 = vector.broadcast %broadcast_in_dim3A_365 : vector<512x1xi32> to vector<512x2048xi32>
    %eq3A_367 = arith.cmpi eq, %iota3A, %eq3A_366 : vector<512x2048xi32>
    %jit3A_368 = arith.constant 3.000000e+38 : f32
    %broadcast_in_dim3A_369 = vector.broadcast %jit3A_368 : f32 to vector<512x2048xf32>
    %select_n3A_370 = arith.select %eq3A_367, %broadcast_in_dim3A_369, %select_n3A_345 : vector<512x2048xi1>, vector<512x2048xf32>
    %eq3A_371 = arith.constant 12 : i32
    %eq3A_372 = vector.broadcast %eq3A_371 : i32 to vector<512x16xi32>
    %eq3A_373 = arith.cmpi eq, %iota3A_57, %eq3A_372 : vector<512x16xi32>
    %jit3A_374 = arith.constant 0 : i32
    %broadcast_in_dim3A_375 = vector.shape_cast %broadcast_in_dim3A_365 : vector<512x1xi32> to vector<512x1xi32>
    %broadcast_in_dim3A_376 = vector.broadcast %broadcast_in_dim3A_375 : vector<512x1xi32> to vector<512x16xi32>
    %broadcast_in_dim3A_377 = vector.broadcast %jit3A_374 : i32 to vector<512x16xi32>
    %select_n3A_378 = arith.select %eq3A_373, %broadcast_in_dim3A_376, %broadcast_in_dim3A_377 : vector<512x16xi1>, vector<512x16xi32>
    %add3A_379 = arith.addi %add3A_354, %select_n3A_378 : vector<512x16xi32>
    %reduce_min3A_380 = arith.constant dense<0x7F800000> : vector<512xf32>
    %reduce_min3A_381 = vector.multi_reduction <minimumf>, %select_n3A_370, %reduce_min3A_380 [1] : vector<512x2048xf32> to vector<512xf32>
    %broadcast_in_dim3A_382 = vector.shape_cast %reduce_min3A_381 : vector<512xf32> to vector<512x1xf32>
    %le3A_383 = vector.broadcast %broadcast_in_dim3A_382 : vector<512x1xf32> to vector<512x2048xf32>
    %le3A_384 = arith.cmpf ole, %select_n3A_370, %le3A_383 : vector<512x2048xf32>
    %jit3A_385 = arith.constant 2048 : i32
    %broadcast_in_dim3A_386 = vector.broadcast %jit3A_385 : i32 to vector<512x2048xi32>
    %select_n3A_387 = arith.select %le3A_384, %iota3A, %broadcast_in_dim3A_386 : vector<512x2048xi1>, vector<512x2048xi32>
    %reduce_min3A_388 = arith.constant dense<2147483647> : vector<512xi32>
    %reduce_min3A_389 = vector.multi_reduction <minsi>, %select_n3A_387, %reduce_min3A_388 [1] : vector<512x2048xi32> to vector<512xi32>
    %broadcast_in_dim3A_390 = vector.shape_cast %reduce_min3A_389 : vector<512xi32> to vector<512x1xi32>
    %eq3A_391 = vector.broadcast %broadcast_in_dim3A_390 : vector<512x1xi32> to vector<512x2048xi32>
    %eq3A_392 = arith.cmpi eq, %iota3A, %eq3A_391 : vector<512x2048xi32>
    %jit3A_393 = arith.constant 3.000000e+38 : f32
    %broadcast_in_dim3A_394 = vector.broadcast %jit3A_393 : f32 to vector<512x2048xf32>
    %select_n3A_395 = arith.select %eq3A_392, %broadcast_in_dim3A_394, %select_n3A_370 : vector<512x2048xi1>, vector<512x2048xf32>
    %eq3A_396 = arith.constant 13 : i32
    %eq3A_397 = vector.broadcast %eq3A_396 : i32 to vector<512x16xi32>
    %eq3A_398 = arith.cmpi eq, %iota3A_57, %eq3A_397 : vector<512x16xi32>
    %jit3A_399 = arith.constant 0 : i32
    %broadcast_in_dim3A_400 = vector.shape_cast %broadcast_in_dim3A_390 : vector<512x1xi32> to vector<512x1xi32>
    %broadcast_in_dim3A_401 = vector.broadcast %broadcast_in_dim3A_400 : vector<512x1xi32> to vector<512x16xi32>
    %broadcast_in_dim3A_402 = vector.broadcast %jit3A_399 : i32 to vector<512x16xi32>
    %select_n3A_403 = arith.select %eq3A_398, %broadcast_in_dim3A_401, %broadcast_in_dim3A_402 : vector<512x16xi1>, vector<512x16xi32>
    %add3A_404 = arith.addi %add3A_379, %select_n3A_403 : vector<512x16xi32>
    %reduce_min3A_405 = arith.constant dense<0x7F800000> : vector<512xf32>
    %reduce_min3A_406 = vector.multi_reduction <minimumf>, %select_n3A_395, %reduce_min3A_405 [1] : vector<512x2048xf32> to vector<512xf32>
    %broadcast_in_dim3A_407 = vector.shape_cast %reduce_min3A_406 : vector<512xf32> to vector<512x1xf32>
    %le3A_408 = vector.broadcast %broadcast_in_dim3A_407 : vector<512x1xf32> to vector<512x2048xf32>
    %le3A_409 = arith.cmpf ole, %select_n3A_395, %le3A_408 : vector<512x2048xf32>
    %jit3A_410 = arith.constant 2048 : i32
    %broadcast_in_dim3A_411 = vector.broadcast %jit3A_410 : i32 to vector<512x2048xi32>
    %select_n3A_412 = arith.select %le3A_409, %iota3A, %broadcast_in_dim3A_411 : vector<512x2048xi1>, vector<512x2048xi32>
    %reduce_min3A_413 = arith.constant dense<2147483647> : vector<512xi32>
    %reduce_min3A_414 = vector.multi_reduction <minsi>, %select_n3A_412, %reduce_min3A_413 [1] : vector<512x2048xi32> to vector<512xi32>
    %broadcast_in_dim3A_415 = vector.shape_cast %reduce_min3A_414 : vector<512xi32> to vector<512x1xi32>
    %eq3A_416 = vector.broadcast %broadcast_in_dim3A_415 : vector<512x1xi32> to vector<512x2048xi32>
    %eq3A_417 = arith.cmpi eq, %iota3A, %eq3A_416 : vector<512x2048xi32>
    %jit3A_418 = arith.constant 3.000000e+38 : f32
    %broadcast_in_dim3A_419 = vector.broadcast %jit3A_418 : f32 to vector<512x2048xf32>
    %select_n3A_420 = arith.select %eq3A_417, %broadcast_in_dim3A_419, %select_n3A_395 : vector<512x2048xi1>, vector<512x2048xf32>
    %eq3A_421 = arith.constant 14 : i32
    %eq3A_422 = vector.broadcast %eq3A_421 : i32 to vector<512x16xi32>
    %eq3A_423 = arith.cmpi eq, %iota3A_57, %eq3A_422 : vector<512x16xi32>
    %jit3A_424 = arith.constant 0 : i32
    %broadcast_in_dim3A_425 = vector.shape_cast %broadcast_in_dim3A_415 : vector<512x1xi32> to vector<512x1xi32>
    %broadcast_in_dim3A_426 = vector.broadcast %broadcast_in_dim3A_425 : vector<512x1xi32> to vector<512x16xi32>
    %broadcast_in_dim3A_427 = vector.broadcast %jit3A_424 : i32 to vector<512x16xi32>
    %select_n3A_428 = arith.select %eq3A_423, %broadcast_in_dim3A_426, %broadcast_in_dim3A_427 : vector<512x16xi1>, vector<512x16xi32>
    %add3A_429 = arith.addi %add3A_404, %select_n3A_428 : vector<512x16xi32>
    %reduce_min3A_430 = arith.constant dense<0x7F800000> : vector<512xf32>
    %reduce_min3A_431 = vector.multi_reduction <minimumf>, %select_n3A_420, %reduce_min3A_430 [1] : vector<512x2048xf32> to vector<512xf32>
    %broadcast_in_dim3A_432 = vector.shape_cast %reduce_min3A_431 : vector<512xf32> to vector<512x1xf32>
    %le3A_433 = vector.broadcast %broadcast_in_dim3A_432 : vector<512x1xf32> to vector<512x2048xf32>
    %le3A_434 = arith.cmpf ole, %select_n3A_420, %le3A_433 : vector<512x2048xf32>
    %jit3A_435 = arith.constant 2048 : i32
    %broadcast_in_dim3A_436 = vector.broadcast %jit3A_435 : i32 to vector<512x2048xi32>
    %select_n3A_437 = arith.select %le3A_434, %iota3A, %broadcast_in_dim3A_436 : vector<512x2048xi1>, vector<512x2048xi32>
    %reduce_min3A_438 = arith.constant dense<2147483647> : vector<512xi32>
    %reduce_min3A_439 = vector.multi_reduction <minsi>, %select_n3A_437, %reduce_min3A_438 [1] : vector<512x2048xi32> to vector<512xi32>
    %broadcast_in_dim3A_440 = vector.shape_cast %reduce_min3A_439 : vector<512xi32> to vector<512x1xi32>
    %eq3A_441 = arith.constant 15 : i32
    %eq3A_442 = vector.broadcast %eq3A_441 : i32 to vector<512x16xi32>
    %eq3A_443 = arith.cmpi eq, %iota3A_57, %eq3A_442 : vector<512x16xi32>
    %jit3A_444 = arith.constant 0 : i32
    %broadcast_in_dim3A_445 = vector.shape_cast %broadcast_in_dim3A_440 : vector<512x1xi32> to vector<512x1xi32>
    %broadcast_in_dim3A_446 = vector.broadcast %broadcast_in_dim3A_445 : vector<512x1xi32> to vector<512x16xi32>
    %broadcast_in_dim3A_447 = vector.broadcast %jit3A_444 : i32 to vector<512x16xi32>
    %select_n3A_448 = arith.select %eq3A_443, %broadcast_in_dim3A_446, %broadcast_in_dim3A_447 : vector<512x16xi1>, vector<512x16xi32>
    %add3A_449 = arith.addi %add3A_429, %select_n3A_448 : vector<512x16xi32>
    %mul3A_450 = arith.constant 2048 : i32
    %mul3A_451 = arith.muli %arg0, %mul3A_450 : i32
    %add3A_452 = vector.broadcast %mul3A_451 : i32 to vector<512x16xi32>
    %add3A_453 = arith.addi %add3A_449, %add3A_452 : vector<512x16xi32>
    %swap3A_454 = arith.constant 0 : index
    %swap3A_455 = arith.constant 0 : index
    %swap3A_456 = vector.load %arg11[%swap3A_454, %swap3A_455] : memref<512x16xi32, #tpu.memory_space<vmem>>, vector<512x16xi32>
    tpu.vector_store %arg11[%swap3A_454, %swap3A_455], %add3A_453 {strides = array<i32>} : memref<512x16xi32, #tpu.memory_space<vmem>>, vector<512x16xi32>,
    return
  }
  func.func @transform_0(%arg0: i32, %arg1: i32) -> (i32, i32) {
    %mul3A = arith.constant 4 : i32
    %mul3A_0 = arith.muli %arg0, %mul3A : i32
    %add3A = arith.addi %mul3A_0, %arg1 : i32
    %c0_i32 = arith.constant 0 : i32
    %c0_i32_1 = arith.constant 0 : i32
    return %add3A, %c0_i32 : i32, i32
  }
  func.func @transform_1(%arg0: i32, %arg1: i32) -> (i32, i32) {
    %c0_i32 = arith.constant 0 : i32
    %c0_i32_0 = arith.constant 0 : i32
    return %c0_i32, %arg0 : i32, i32
  }
  func.func @transform_2(%arg0: i32, %arg1: i32) -> (i32, i32) {
    %mul3A = arith.constant 4 : i32
    %mul3A_0 = arith.muli %arg0, %mul3A : i32
    %add3A = arith.addi %mul3A_0, %arg1 : i32
    %c0_i32 = arith.constant 0 : i32
    %c0_i32_1 = arith.constant 0 : i32
    return %add3A, %c0_i32 : i32, i32
  }
  func.func @transform_3(%arg0: i32, %arg1: i32) -> (i32, i32) {
    %c0_i32 = arith.constant 0 : i32
    %c0_i32_0 = arith.constant 0 : i32
    %c0_i32_1 = arith.constant 0 : i32
    return %c0_i32, %c0_i32_0 : i32, i32
  }
  func.func @transform_4(%arg0: i32, %arg1: i32) -> (i32, i32) {
    %c0_i32 = arith.constant 0 : i32
    %c0_i32_0 = arith.constant 0 : i32
    %c0_i32_1 = arith.constant 0 : i32
    return %c0_i32, %c0_i32_0 : i32, i32
  }
  func.func @transform_5(%arg0: i32, %arg1: i32) -> (i32, i32) {
    %c0_i32 = arith.constant 0 : i32
    %c0_i32_0 = arith.constant 0 : i32
    %c0_i32_1 = arith.constant 0 : i32
    return %c0_i32, %c0_i32_0 : i32, i32
  }
  func.func @transform_6(%arg0: i32, %arg1: i32) -> (i32, i32) {
    %c0_i32 = arith.constant 0 : i32
    %c0_i32_0 = arith.constant 0 : i32
    %c0_i32_1 = arith.constant 0 : i32
    return %c0_i32, %c0_i32_0 : i32, i32
  }
  func.func @transform_7(%arg0: i32, %arg1: i32) -> (i32, i32) {
    %c0_i32 = arith.constant 0 : i32
    %c0_i32_0 = arith.constant 0 : i32
    %c0_i32_1 = arith.constant 0 : i32
    return %c0_i32, %c0_i32_0 : i32, i32
  }
  func.func @transform_8(%arg0: i32, %arg1: i32) -> (i32, i32) {
    %c0_i32 = arith.constant 0 : i32
    %c0_i32_0 = arith.constant 0 : i32
    %c0_i32_1 = arith.constant 0 : i32
    return %c0_i32, %c0_i32_0 : i32, i32
  }
  func.func @transform_9(%arg0: i32, %arg1: i32) -> (i32, i32) {
    %mul3A = arith.constant 4 : i32
    %mul3A_0 = arith.muli %arg0, %mul3A : i32
    %add3A = arith.addi %mul3A_0, %arg1 : i32
    %c0_i32 = arith.constant 0 : i32
    %c0_i32_1 = arith.constant 0 : i32
    return %add3A, %c0_i32 : i32, i32
  }
  func.func @transform_10(%arg0: i32, %arg1: i32) -> (i32, i32) {
    %mul3A = arith.constant 4 : i32
    %mul3A_0 = arith.muli %arg0, %mul3A : i32
    %add3A = arith.addi %mul3A_0, %arg1 : i32
    %c0_i32 = arith.constant 0 : i32
    %c0_i32_1 = arith.constant 0 : i32
    return %add3A, %c0_i32 : i32, i32
  }
  func.func @transform_11(%arg0: i32, %arg1: i32) -> (i32, i32) {
    %mul3A = arith.constant 4 : i32
    %mul3A_0 = arith.muli %arg0, %mul3A : i32
    %add3A = arith.addi %mul3A_0, %arg1 : i32
    %c0_i32 = arith.constant 0 : i32
    %c0_i32_1 = arith.constant 0 : i32
    return %add3A, %c0_i32 : i32, i32
  }
  func.func @transform_12(%arg0: i32, %arg1: i32) -> (i32, i32) {
    %mul3A = arith.constant 4 : i32
    %mul3A_0 = arith.muli %arg0, %mul3A : i32
    %add3A = arith.addi %mul3A_0, %arg1 : i32
    %c0_i32 = arith.constant 0 : i32
    %c0_i32_1 = arith.constant 0 : i32
    return %add3A, %c0_i32 : i32, i32
  }
}

module attributes {stable_mosaic.version = 14 : i64} {
  func.func @_relmom_body(%arg0: i32, %arg1: memref<4096x16xf32, #tpu.memory_space<vmem>>, %arg2: memref<256x16xf32, #tpu.memory_space<vmem>>, %arg3: memref<16x16xf32, #tpu.memory_space<vmem>>, %arg4: memref<1x16xf32, #tpu.memory_space<vmem>>, %arg5: memref<8x128xf32, #tpu.memory_space<vmem>>) attributes {dimension_semantics = [#tpu.dimension_semantics<arbitrary>], iteration_bounds = array<i64: 64>, scalar_prefetch = 0 : i64, scratch_operands = 0 : i64, tpu.core_type = #tpu.core_type<tc>, window_params = [{transform_indices = @transform_0, window_bounds = array<i64: 4096, 16>}, {transform_indices = @transform_1, window_bounds = array<i64: 256, 16>}, {pipeline_mode = #tpu.pipeline_mode<synchronous>, transform_indices = @transform_2, window_bounds = array<i64: 16, 16>}, {pipeline_mode = #tpu.pipeline_mode<synchronous>, transform_indices = @transform_3, window_bounds = array<i64: 1, 16>}, {pipeline_mode = #tpu.pipeline_mode<synchronous>, transform_indices = @transform_4, window_bounds = array<i64: 8, 128>}]} {
    %get3A = arith.constant 0 : index
    %get3A_0 = arith.constant 0 : index
    %get3A_1 = vector.load %arg1[%get3A, %get3A_0] : memref<4096x16xf32, #tpu.memory_space<vmem>>, vector<4096x16xf32>
    %get3A_2 = arith.constant 0 : index
    %get3A_3 = arith.constant 0 : index
    %get3A_4 = vector.load %arg2[%get3A_2, %get3A_3] : memref<256x16xf32, #tpu.memory_space<vmem>>, vector<256x16xf32>
    %get3A_5 = arith.constant 0 : index
    %get3A_6 = arith.constant 0 : index
    %get3A_7 = vector.load %arg3[%get3A_5, %get3A_6] : memref<16x16xf32, #tpu.memory_space<vmem>>, vector<16x16xf32>
    %get3A_8 = arith.constant 0 : index
    %get3A_9 = arith.constant 0 : index
    %get3A_10 = vector.load %arg4[%get3A_8, %get3A_9] : memref<1x16xf32, #tpu.memory_space<vmem>>, vector<1x16xf32>
    %broadcast_in_dim3A = vector.shape_cast %get3A_4 : vector<256x16xf32> to vector<256x1x16xf32>
    %broadcast_in_dim3A_11 = vector.broadcast %broadcast_in_dim3A : vector<256x1x16xf32> to vector<256x16x16xf32>
    %reshape3A = vector.shape_cast %broadcast_in_dim3A_11 : vector<256x16x16xf32> to vector<4096x16xf32>
    %sub3A = arith.subf %get3A_1, %reshape3A : vector<4096x16xf32>
    %dot_general3A = arith.constant dense<0.000000e+00> : vector<4096x16xf32>
    %dot_general3A_12 = tpu.matmul %sub3A, %get3A_7, %dot_general3A {dimension_numbers = #tpu.dot_dimension_numbers<[1], [0], [0], [1], [0, 0, 1, 1], [], []>, transpose_lhs_hint = false} : vector<4096x16xf32>, vector<16x16xf32>, vector<4096x16xf32> -> vector<4096x16xf32>
    %add3A = vector.broadcast %get3A_10 : vector<1x16xf32> to vector<4096x16xf32>
    %add3A_13 = arith.addf %dot_general3A_12, %add3A : vector<4096x16xf32>
    %reduce_sum3A = arith.constant dense<0.000000e+00> : vector<16xf32>
    %reduce_sum3A_14 = vector.multi_reduction <add>, %add3A_13, %reduce_sum3A [0] : vector<4096x16xf32> to vector<16xf32>
    %broadcast_in_dim3A_15 = vector.shape_cast %reduce_sum3A_14 : vector<16xf32> to vector<1x16xf32>
    %mul3A = arith.mulf %add3A_13, %add3A_13 : vector<4096x16xf32>
    %reduce_sum3A_16 = arith.constant dense<0.000000e+00> : vector<16xf32>
    %reduce_sum3A_17 = vector.multi_reduction <add>, %mul3A, %reduce_sum3A_16 [0] : vector<4096x16xf32> to vector<16xf32>
    %broadcast_in_dim3A_18 = vector.shape_cast %reduce_sum3A_17 : vector<16xf32> to vector<1x16xf32>
    %broadcast_in_dim3A_19 = arith.constant 0.000000e+00 : f32
    %broadcast_in_dim3A_20 = vector.broadcast %broadcast_in_dim3A_19 : f32 to vector<1x112xf32>
    %concatenate3A = tpu.concatenate %broadcast_in_dim3A_15, %broadcast_in_dim3A_20 in 1 : vector<1x16xf32>, vector<1x112xf32> -> vector<1x128xf32>
    %concatenate3A_21 = tpu.concatenate %broadcast_in_dim3A_18, %broadcast_in_dim3A_20 in 1 : vector<1x16xf32>, vector<1x112xf32> -> vector<1x128xf32>
    %broadcast_in_dim3A_22 = arith.constant 0.000000e+00 : f32
    %broadcast_in_dim3A_23 = vector.broadcast %broadcast_in_dim3A_22 : f32 to vector<6x128xf32>
    %concatenate3A_24 = tpu.concatenate %concatenate3A, %concatenate3A_21, %broadcast_in_dim3A_23 in 0 : vector<1x128xf32>, vector<1x128xf32>, vector<6x128xf32> -> vector<8x128xf32>
    %eq3A = arith.constant 0 : i32
    %eq3A_25 = arith.cmpi eq, %arg0, %eq3A : i32
    %convert_element_type3A = arith.extui %eq3A_25 : i1 to i32
    %cond3A = arith.constant 0 : i32
    %cond3A_26 = arith.cmpi ne, %convert_element_type3A, %cond3A : i32
    scf.if %cond3A_26 {
      %broadcast_in_dim3A_33 = arith.constant 0.000000e+00 : f32
      %broadcast_in_dim3A_34 = vector.broadcast %broadcast_in_dim3A_33 : f32 to vector<8x128xf32>
      %swap3A_35 = arith.constant 0 : index
      %swap3A_36 = arith.constant 0 : index
      %swap3A_37 = vector.load %arg5[%swap3A_35, %swap3A_36] : memref<8x128xf32, #tpu.memory_space<vmem>>, vector<8x128xf32>
      tpu.vector_store %arg5[%swap3A_35, %swap3A_36], %broadcast_in_dim3A_34 {strides = array<i32>} : memref<8x128xf32, #tpu.memory_space<vmem>>, vector<8x128xf32>,
    } else {
    }
    %get3A_27 = arith.constant 0 : index
    %get3A_28 = arith.constant 0 : index
    %get3A_29 = vector.load %arg5[%get3A_27, %get3A_28] : memref<8x128xf32, #tpu.memory_space<vmem>>, vector<8x128xf32>
    %add3A_30 = arith.addf %get3A_29, %concatenate3A_24 : vector<8x128xf32>
    %swap3A = arith.constant 0 : index
    %swap3A_31 = arith.constant 0 : index
    %swap3A_32 = vector.load %arg5[%swap3A, %swap3A_31] : memref<8x128xf32, #tpu.memory_space<vmem>>, vector<8x128xf32>
    tpu.vector_store %arg5[%swap3A, %swap3A_31], %add3A_30 {strides = array<i32>} : memref<8x128xf32, #tpu.memory_space<vmem>>, vector<8x128xf32>,
    return
  }
  func.func @transform_0(%arg0: i32) -> (i32, i32) {
    %c0_i32 = arith.constant 0 : i32
    %c0_i32_0 = arith.constant 0 : i32
    return %arg0, %c0_i32 : i32, i32
  }
  func.func @transform_1(%arg0: i32) -> (i32, i32) {
    %c0_i32 = arith.constant 0 : i32
    %c0_i32_0 = arith.constant 0 : i32
    return %arg0, %c0_i32 : i32, i32
  }
  func.func @transform_2(%arg0: i32) -> (i32, i32) {
    %c0_i32 = arith.constant 0 : i32
    %c0_i32_0 = arith.constant 0 : i32
    %c0_i32_1 = arith.constant 0 : i32
    return %c0_i32, %c0_i32_0 : i32, i32
  }
  func.func @transform_3(%arg0: i32) -> (i32, i32) {
    %c0_i32 = arith.constant 0 : i32
    %c0_i32_0 = arith.constant 0 : i32
    %c0_i32_1 = arith.constant 0 : i32
    return %c0_i32, %c0_i32_0 : i32, i32
  }
  func.func @transform_4(%arg0: i32) -> (i32, i32) {
    %c0_i32 = arith.constant 0 : i32
    %c0_i32_0 = arith.constant 0 : i32
    %c0_i32_1 = arith.constant 0 : i32
    return %c0_i32, %c0_i32_0 : i32, i32
  }
}

module attributes {stable_mosaic.version = 14 : i64} {
  func.func @_passB_body(%arg0: i32, %arg1: memref<4096x64xf32, #tpu.memory_space<vmem>>, %arg2: memref<4096x16xf32, #tpu.memory_space<vmem>>, %arg3: memref<256x64xf32, #tpu.memory_space<vmem>>, %arg4: memref<256x16xf32, #tpu.memory_space<vmem>>, %arg5: memref<8x128xf32, #tpu.memory_space<vmem>>, %arg6: memref<16x16xf32, #tpu.memory_space<vmem>>, %arg7: memref<1x16xf32, #tpu.memory_space<vmem>>, %arg8: memref<1x16xf32, #tpu.memory_space<vmem>>, %arg9: memref<1x16xf32, #tpu.memory_space<vmem>>, %arg10: memref<16x64xf32, #tpu.memory_space<vmem>>, %arg11: memref<1x64xf32, #tpu.memory_space<vmem>>, %arg12: memref<4096x64xf32, #tpu.memory_space<vmem>>, %arg13: memref<8x128xf32, #tpu.memory_space<vmem>>) attributes {dimension_semantics = [#tpu.dimension_semantics<arbitrary>], iteration_bounds = array<i64: 64>, scalar_prefetch = 0 : i64, scratch_operands = 0 : i64, tpu.core_type = #tpu.core_type<tc>, window_params = [{transform_indices = @transform_0, window_bounds = array<i64: 4096, 64>}, {transform_indices = @transform_1, window_bounds = array<i64: 4096, 16>}, {transform_indices = @transform_2, window_bounds = array<i64: 256, 64>}, {transform_indices = @transform_3, window_bounds = array<i64: 256, 16>}, {pipeline_mode = #tpu.pipeline_mode<synchronous>, transform_indices = @transform_4, window_bounds = array<i64: 8, 128>}, {pipeline_mode = #tpu.pipeline_mode<synchronous>, transform_indices = @transform_5, window_bounds = array<i64: 16, 16>}, {pipeline_mode = #tpu.pipeline_mode<synchronous>, transform_indices = @transform_6, window_bounds = array<i64: 1, 16>}, {pipeline_mode = #tpu.pipeline_mode<synchronous>, transform_indices = @transform_7, window_bounds = array<i64: 1, 16>}, {pipeline_mode = #tpu.pipeline_mode<synchronous>, transform_indices = @transform_8, window_bounds = array<i64: 1, 16>}, {pipeline_mode = #tpu.pipeline_mode<synchronous>, transform_indices = @transform_9, window_bounds = array<i64: 16, 64>}, {pipeline_mode = #tpu.pipeline_mode<synchronous>, transform_indices = @transform_10, window_bounds = array<i64: 1, 64>}, {transform_indices = @transform_11, window_bounds = array<i64: 4096, 64>}, {pipeline_mode = #tpu.pipeline_mode<synchronous>, transform_indices = @transform_12, window_bounds = array<i64: 8, 128>}]} {
    %get3A = arith.constant 0 : index
    %get3A_0 = arith.constant 0 : index
    %get3A_1 = vector.load %arg5[%get3A, %get3A_0] : memref<8x128xf32, #tpu.memory_space<vmem>>, vector<8x128xf32>
    %slice3A = vector.extract_strided_slice %get3A_1 {offsets = [0, 0], sizes = [1, 16], strides = [1, 1]} : vector<8x128xf32> to vector<1x16xf32>
    %div3A = arith.constant 2.621440e+05 : f32
    %div3A_2 = vector.broadcast %div3A : f32 to vector<1x16xf32>
    %div3A_3 = arith.divf %slice3A, %div3A_2 : vector<1x16xf32>
    %slice3A_4 = vector.extract_strided_slice %get3A_1 {offsets = [1, 0], sizes = [1, 16], strides = [1, 1]} : vector<8x128xf32> to vector<1x16xf32>
    %div3A_5 = arith.constant 2.621440e+05 : f32
    %div3A_6 = vector.broadcast %div3A_5 : f32 to vector<1x16xf32>
    %div3A_7 = arith.divf %slice3A_4, %div3A_6 : vector<1x16xf32>
    %mul3A = arith.mulf %div3A_3, %div3A_3 : vector<1x16xf32>
    %sub3A = arith.subf %div3A_7, %mul3A : vector<1x16xf32>
    %add3A = arith.constant 9.99999974E-6 : f32
    %add3A_8 = vector.broadcast %add3A : f32 to vector<1x16xf32>
    %add3A_9 = arith.addf %sub3A, %add3A_8 : vector<1x16xf32>
    %rsqrt3A = math.rsqrt %add3A_9 : vector<1x16xf32>
    %get3A_10 = arith.constant 0 : index
    %get3A_11 = arith.constant 0 : index
    %get3A_12 = vector.load %arg2[%get3A_10, %get3A_11] : memref<4096x16xf32, #tpu.memory_space<vmem>>, vector<4096x16xf32>
    %get3A_13 = arith.constant 0 : index
    %get3A_14 = arith.constant 0 : index
    %get3A_15 = vector.load %arg4[%get3A_13, %get3A_14] : memref<256x16xf32, #tpu.memory_space<vmem>>, vector<256x16xf32>
    %get3A_16 = arith.constant 0 : index
    %get3A_17 = arith.constant 0 : index
    %get3A_18 = vector.load %arg6[%get3A_16, %get3A_17] : memref<16x16xf32, #tpu.memory_space<vmem>>, vector<16x16xf32>
    %get3A_19 = arith.constant 0 : index
    %get3A_20 = arith.constant 0 : index
    %get3A_21 = vector.load %arg7[%get3A_19, %get3A_20] : memref<1x16xf32, #tpu.memory_space<vmem>>, vector<1x16xf32>
    %broadcast_in_dim3A = vector.shape_cast %get3A_15 : vector<256x16xf32> to vector<256x1x16xf32>
    %broadcast_in_dim3A_22 = vector.broadcast %broadcast_in_dim3A : vector<256x1x16xf32> to vector<256x16x16xf32>
    %reshape3A = vector.shape_cast %broadcast_in_dim3A_22 : vector<256x16x16xf32> to vector<4096x16xf32>
    %sub3A_23 = arith.subf %get3A_12, %reshape3A : vector<4096x16xf32>
    %dot_general3A = arith.constant dense<0.000000e+00> : vector<4096x16xf32>
    %dot_general3A_24 = tpu.matmul %sub3A_23, %get3A_18, %dot_general3A {dimension_numbers = #tpu.dot_dimension_numbers<[1], [0], [0], [1], [0, 0, 1, 1], [], []>, transpose_lhs_hint = false} : vector<4096x16xf32>, vector<16x16xf32>, vector<4096x16xf32> -> vector<4096x16xf32>
    %add3A_25 = vector.broadcast %get3A_21 : vector<1x16xf32> to vector<4096x16xf32>
    %add3A_26 = arith.addf %dot_general3A_24, %add3A_25 : vector<4096x16xf32>
    %get3A_27 = arith.constant 0 : index
    %get3A_28 = arith.constant 0 : index
    %get3A_29 = vector.load %arg8[%get3A_27, %get3A_28] : memref<1x16xf32, #tpu.memory_space<vmem>>, vector<1x16xf32>
    %get3A_30 = arith.constant 0 : index
    %get3A_31 = arith.constant 0 : index
    %get3A_32 = vector.load %arg9[%get3A_30, %get3A_31] : memref<1x16xf32, #tpu.memory_space<vmem>>, vector<1x16xf32>
    %get3A_33 = arith.constant 0 : index
    %get3A_34 = arith.constant 0 : index
    %get3A_35 = vector.load %arg10[%get3A_33, %get3A_34] : memref<16x64xf32, #tpu.memory_space<vmem>>, vector<16x64xf32>
    %get3A_36 = arith.constant 0 : index
    %get3A_37 = arith.constant 0 : index
    %get3A_38 = vector.load %arg11[%get3A_36, %get3A_37] : memref<1x64xf32, #tpu.memory_space<vmem>>, vector<1x64xf32>
    %sub3A_39 = vector.broadcast %div3A_3 : vector<1x16xf32> to vector<4096x16xf32>
    %sub3A_40 = arith.subf %add3A_26, %sub3A_39 : vector<4096x16xf32>
    %mul3A_41 = vector.broadcast %rsqrt3A : vector<1x16xf32> to vector<4096x16xf32>
    %mul3A_42 = arith.mulf %sub3A_40, %mul3A_41 : vector<4096x16xf32>
    %mul3A_43 = vector.broadcast %get3A_29 : vector<1x16xf32> to vector<4096x16xf32>
    %mul3A_44 = arith.mulf %mul3A_42, %mul3A_43 : vector<4096x16xf32>
    %add3A_45 = vector.broadcast %get3A_32 : vector<1x16xf32> to vector<4096x16xf32>
    %add3A_46 = arith.addf %mul3A_44, %add3A_45 : vector<4096x16xf32>
    %max3A = arith.constant 0.000000e+00 : f32
    %max3A_47 = vector.broadcast %max3A : f32 to vector<4096x16xf32>
    %max3A_48 = arith.maximumf %add3A_46, %max3A_47 : vector<4096x16xf32>
    %dot_general3A_49 = arith.constant dense<0.000000e+00> : vector<4096x64xf32>
    %dot_general3A_50 = tpu.matmul %max3A_48, %get3A_35, %dot_general3A_49 {dimension_numbers = #tpu.dot_dimension_numbers<[1], [0], [0], [1], [0, 0, 1, 1], [], []>, transpose_lhs_hint = false} : vector<4096x16xf32>, vector<16x64xf32>, vector<4096x64xf32> -> vector<4096x64xf32>
    %add3A_51 = vector.broadcast %get3A_38 : vector<1x64xf32> to vector<4096x64xf32>
    %add3A_52 = arith.addf %dot_general3A_50, %add3A_51 : vector<4096x64xf32>
    %get3A_53 = arith.constant 0 : index
    %get3A_54 = arith.constant 0 : index
    %get3A_55 = vector.load %arg3[%get3A_53, %get3A_54] : memref<256x64xf32, #tpu.memory_space<vmem>>, vector<256x64xf32>
    %broadcast_in_dim3A_56 = vector.shape_cast %get3A_55 : vector<256x64xf32> to vector<256x1x64xf32>
    %broadcast_in_dim3A_57 = vector.broadcast %broadcast_in_dim3A_56 : vector<256x1x64xf32> to vector<256x16x64xf32>
    %reshape3A_58 = vector.shape_cast %broadcast_in_dim3A_57 : vector<256x16x64xf32> to vector<4096x64xf32>
    %get3A_59 = arith.constant 0 : index
    %get3A_60 = arith.constant 0 : index
    %get3A_61 = vector.load %arg1[%get3A_59, %get3A_60] : memref<4096x64xf32, #tpu.memory_space<vmem>>, vector<4096x64xf32>
    %sub3A_62 = arith.subf %get3A_61, %reshape3A_58 : vector<4096x64xf32>
    %add3A_63 = arith.addf %sub3A_62, %add3A_52 : vector<4096x64xf32>
    %swap3A = arith.constant 0 : index
    %swap3A_64 = arith.constant 0 : index
    %swap3A_65 = vector.load %arg12[%swap3A, %swap3A_64] : memref<4096x64xf32, #tpu.memory_space<vmem>>, vector<4096x64xf32>
    tpu.vector_store %arg12[%swap3A, %swap3A_64], %add3A_63 {strides = array<i32>} : memref<4096x64xf32, #tpu.memory_space<vmem>>, vector<4096x64xf32>,
    %reduce_sum3A = arith.constant dense<0.000000e+00> : vector<64xf32>
    %reduce_sum3A_66 = vector.multi_reduction <add>, %add3A_63, %reduce_sum3A [0] : vector<4096x64xf32> to vector<64xf32>
    %broadcast_in_dim3A_67 = vector.shape_cast %reduce_sum3A_66 : vector<64xf32> to vector<1x64xf32>
    %mul3A_68 = arith.mulf %add3A_63, %add3A_63 : vector<4096x64xf32>
    %reduce_sum3A_69 = arith.constant dense<0.000000e+00> : vector<64xf32>
    %reduce_sum3A_70 = vector.multi_reduction <add>, %mul3A_68, %reduce_sum3A_69 [0] : vector<4096x64xf32> to vector<64xf32>
    %broadcast_in_dim3A_71 = vector.shape_cast %reduce_sum3A_70 : vector<64xf32> to vector<1x64xf32>
    %broadcast_in_dim3A_72 = arith.constant 0.000000e+00 : f32
    %broadcast_in_dim3A_73 = vector.broadcast %broadcast_in_dim3A_72 : f32 to vector<1x64xf32>
    %concatenate3A = tpu.concatenate %broadcast_in_dim3A_67, %broadcast_in_dim3A_73 in 1 : vector<1x64xf32>, vector<1x64xf32> -> vector<1x128xf32>
    %concatenate3A_74 = tpu.concatenate %broadcast_in_dim3A_71, %broadcast_in_dim3A_73 in 1 : vector<1x64xf32>, vector<1x64xf32> -> vector<1x128xf32>
    %broadcast_in_dim3A_75 = arith.constant 0.000000e+00 : f32
    %broadcast_in_dim3A_76 = vector.broadcast %broadcast_in_dim3A_75 : f32 to vector<6x128xf32>
    %concatenate3A_77 = tpu.concatenate %concatenate3A, %concatenate3A_74, %broadcast_in_dim3A_76 in 0 : vector<1x128xf32>, vector<1x128xf32>, vector<6x128xf32> -> vector<8x128xf32>
    %eq3A = arith.constant 0 : i32
    %eq3A_78 = arith.cmpi eq, %arg0, %eq3A : i32
    %convert_element_type3A = arith.extui %eq3A_78 : i1 to i32
    %cond3A = arith.constant 0 : i32
    %cond3A_79 = arith.cmpi ne, %convert_element_type3A, %cond3A : i32
    scf.if %cond3A_79 {
      %broadcast_in_dim3A_87 = arith.constant 0.000000e+00 : f32
      %broadcast_in_dim3A_88 = vector.broadcast %broadcast_in_dim3A_87 : f32 to vector<8x128xf32>
      %swap3A_89 = arith.constant 0 : index
      %swap3A_90 = arith.constant 0 : index
      %swap3A_91 = vector.load %arg13[%swap3A_89, %swap3A_90] : memref<8x128xf32, #tpu.memory_space<vmem>>, vector<8x128xf32>
      tpu.vector_store %arg13[%swap3A_89, %swap3A_90], %broadcast_in_dim3A_88 {strides = array<i32>} : memref<8x128xf32, #tpu.memory_space<vmem>>, vector<8x128xf32>,
    } else {
    }
    %get3A_80 = arith.constant 0 : index
    %get3A_81 = arith.constant 0 : index
    %get3A_82 = vector.load %arg13[%get3A_80, %get3A_81] : memref<8x128xf32, #tpu.memory_space<vmem>>, vector<8x128xf32>
    %add3A_83 = arith.addf %get3A_82, %concatenate3A_77 : vector<8x128xf32>
    %swap3A_84 = arith.constant 0 : index
    %swap3A_85 = arith.constant 0 : index
    %swap3A_86 = vector.load %arg13[%swap3A_84, %swap3A_85] : memref<8x128xf32, #tpu.memory_space<vmem>>, vector<8x128xf32>
    tpu.vector_store %arg13[%swap3A_84, %swap3A_85], %add3A_83 {strides = array<i32>} : memref<8x128xf32, #tpu.memory_space<vmem>>, vector<8x128xf32>,
    return
  }
  func.func @transform_0(%arg0: i32) -> (i32, i32) {
    %c0_i32 = arith.constant 0 : i32
    %c0_i32_0 = arith.constant 0 : i32
    return %arg0, %c0_i32 : i32, i32
  }
  func.func @transform_1(%arg0: i32) -> (i32, i32) {
    %c0_i32 = arith.constant 0 : i32
    %c0_i32_0 = arith.constant 0 : i32
    return %arg0, %c0_i32 : i32, i32
  }
  func.func @transform_2(%arg0: i32) -> (i32, i32) {
    %c0_i32 = arith.constant 0 : i32
    %c0_i32_0 = arith.constant 0 : i32
    return %arg0, %c0_i32 : i32, i32
  }
  func.func @transform_3(%arg0: i32) -> (i32, i32) {
    %c0_i32 = arith.constant 0 : i32
    %c0_i32_0 = arith.constant 0 : i32
    return %arg0, %c0_i32 : i32, i32
  }
  func.func @transform_4(%arg0: i32) -> (i32, i32) {
    %c0_i32 = arith.constant 0 : i32
    %c0_i32_0 = arith.constant 0 : i32
    %c0_i32_1 = arith.constant 0 : i32
    return %c0_i32, %c0_i32_0 : i32, i32
  }
  func.func @transform_5(%arg0: i32) -> (i32, i32) {
    %c0_i32 = arith.constant 0 : i32
    %c0_i32_0 = arith.constant 0 : i32
    %c0_i32_1 = arith.constant 0 : i32
    return %c0_i32, %c0_i32_0 : i32, i32
  }
  func.func @transform_6(%arg0: i32) -> (i32, i32) {
    %c0_i32 = arith.constant 0 : i32
    %c0_i32_0 = arith.constant 0 : i32
    %c0_i32_1 = arith.constant 0 : i32
    return %c0_i32, %c0_i32_0 : i32, i32
  }
  func.func @transform_7(%arg0: i32) -> (i32, i32) {
    %c0_i32 = arith.constant 0 : i32
    %c0_i32_0 = arith.constant 0 : i32
    %c0_i32_1 = arith.constant 0 : i32
    return %c0_i32, %c0_i32_0 : i32, i32
  }
  func.func @transform_8(%arg0: i32) -> (i32, i32) {
    %c0_i32 = arith.constant 0 : i32
    %c0_i32_0 = arith.constant 0 : i32
    %c0_i32_1 = arith.constant 0 : i32
    return %c0_i32, %c0_i32_0 : i32, i32
  }
  func.func @transform_9(%arg0: i32) -> (i32, i32) {
    %c0_i32 = arith.constant 0 : i32
    %c0_i32_0 = arith.constant 0 : i32
    %c0_i32_1 = arith.constant 0 : i32
    return %c0_i32, %c0_i32_0 : i32, i32
  }
  func.func @transform_10(%arg0: i32) -> (i32, i32) {
    %c0_i32 = arith.constant 0 : i32
    %c0_i32_0 = arith.constant 0 : i32
    %c0_i32_1 = arith.constant 0 : i32
    return %c0_i32, %c0_i32_0 : i32, i32
  }
  func.func @transform_11(%arg0: i32) -> (i32, i32) {
    %c0_i32 = arith.constant 0 : i32
    %c0_i32_0 = arith.constant 0 : i32
    return %arg0, %c0_i32 : i32, i32
  }
  func.func @transform_12(%arg0: i32) -> (i32, i32) {
    %c0_i32 = arith.constant 0 : i32
    %c0_i32_0 = arith.constant 0 : i32
    %c0_i32_1 = arith.constant 0 : i32
    return %c0_i32, %c0_i32_0 : i32, i32
  }
}

module attributes {stable_mosaic.version = 14 : i64} {
  func.func @_passC_body(%arg0: i32, %arg1: memref<8192x64xf32, #tpu.memory_space<vmem>>, %arg2: memref<8x128xf32, #tpu.memory_space<vmem>>, %arg3: memref<64x8xf32, #tpu.memory_space<vmem>>, %arg4: memref<1x8xf32, #tpu.memory_space<vmem>>, %arg5: memref<1x64xf32, #tpu.memory_space<vmem>>, %arg6: memref<1x64xf32, #tpu.memory_space<vmem>>, %arg7: memref<8192x8xf32, #tpu.memory_space<vmem>>, %arg8: memref<8x128xf32, #tpu.memory_space<vmem>>) attributes {dimension_semantics = [#tpu.dimension_semantics<arbitrary>], iteration_bounds = array<i64: 32>, scalar_prefetch = 0 : i64, scratch_operands = 0 : i64, tpu.core_type = #tpu.core_type<tc>, window_params = [{transform_indices = @transform_0, window_bounds = array<i64: 8192, 64>}, {pipeline_mode = #tpu.pipeline_mode<synchronous>, transform_indices = @transform_1, window_bounds = array<i64: 8, 128>}, {pipeline_mode = #tpu.pipeline_mode<synchronous>, transform_indices = @transform_2, window_bounds = array<i64: 64, 8>}, {pipeline_mode = #tpu.pipeline_mode<synchronous>, transform_indices = @transform_3, window_bounds = array<i64: 1, 8>}, {pipeline_mode = #tpu.pipeline_mode<synchronous>, transform_indices = @transform_4, window_bounds = array<i64: 1, 64>}, {pipeline_mode = #tpu.pipeline_mode<synchronous>, transform_indices = @transform_5, window_bounds = array<i64: 1, 64>}, {transform_indices = @transform_6, window_bounds = array<i64: 8192, 8>}, {pipeline_mode = #tpu.pipeline_mode<synchronous>, transform_indices = @transform_7, window_bounds = array<i64: 8, 128>}]} {
    %get3A = arith.constant 0 : index
    %get3A_0 = arith.constant 0 : index
    %get3A_1 = vector.load %arg2[%get3A, %get3A_0] : memref<8x128xf32, #tpu.memory_space<vmem>>, vector<8x128xf32>
    %slice3A = vector.extract_strided_slice %get3A_1 {offsets = [0, 0], sizes = [1, 64], strides = [1, 1]} : vector<8x128xf32> to vector<1x64xf32>
    %div3A = arith.constant 2.621440e+05 : f32
    %div3A_2 = vector.broadcast %div3A : f32 to vector<1x64xf32>
    %div3A_3 = arith.divf %slice3A, %div3A_2 : vector<1x64xf32>
    %slice3A_4 = vector.extract_strided_slice %get3A_1 {offsets = [1, 0], sizes = [1, 64], strides = [1, 1]} : vector<8x128xf32> to vector<1x64xf32>
    %div3A_5 = arith.constant 2.621440e+05 : f32
    %div3A_6 = vector.broadcast %div3A_5 : f32 to vector<1x64xf32>
    %div3A_7 = arith.divf %slice3A_4, %div3A_6 : vector<1x64xf32>
    %mul3A = arith.mulf %div3A_3, %div3A_3 : vector<1x64xf32>
    %sub3A = arith.subf %div3A_7, %mul3A : vector<1x64xf32>
    %add3A = arith.constant 9.99999974E-6 : f32
    %add3A_8 = vector.broadcast %add3A : f32 to vector<1x64xf32>
    %add3A_9 = arith.addf %sub3A, %add3A_8 : vector<1x64xf32>
    %rsqrt3A = math.rsqrt %add3A_9 : vector<1x64xf32>
    %get3A_10 = arith.constant 0 : index
    %get3A_11 = arith.constant 0 : index
    %get3A_12 = vector.load %arg1[%get3A_10, %get3A_11] : memref<8192x64xf32, #tpu.memory_space<vmem>>, vector<8192x64xf32>
    %sub3A_13 = vector.broadcast %div3A_3 : vector<1x64xf32> to vector<8192x64xf32>
    %sub3A_14 = arith.subf %get3A_12, %sub3A_13 : vector<8192x64xf32>
    %mul3A_15 = vector.broadcast %rsqrt3A : vector<1x64xf32> to vector<8192x64xf32>
    %mul3A_16 = arith.mulf %sub3A_14, %mul3A_15 : vector<8192x64xf32>
    %get3A_17 = arith.constant 0 : index
    %get3A_18 = arith.constant 0 : index
    %get3A_19 = vector.load %arg5[%get3A_17, %get3A_18] : memref<1x64xf32, #tpu.memory_space<vmem>>, vector<1x64xf32>
    %mul3A_20 = vector.broadcast %get3A_19 : vector<1x64xf32> to vector<8192x64xf32>
    %mul3A_21 = arith.mulf %mul3A_16, %mul3A_20 : vector<8192x64xf32>
    %get3A_22 = arith.constant 0 : index
    %get3A_23 = arith.constant 0 : index
    %get3A_24 = vector.load %arg6[%get3A_22, %get3A_23] : memref<1x64xf32, #tpu.memory_space<vmem>>, vector<1x64xf32>
    %add3A_25 = vector.broadcast %get3A_24 : vector<1x64xf32> to vector<8192x64xf32>
    %add3A_26 = arith.addf %mul3A_21, %add3A_25 : vector<8192x64xf32>
    %max3A = arith.constant 0.000000e+00 : f32
    %max3A_27 = vector.broadcast %max3A : f32 to vector<8192x64xf32>
    %max3A_28 = arith.maximumf %add3A_26, %max3A_27 : vector<8192x64xf32>
    %get3A_29 = arith.constant 0 : index
    %get3A_30 = arith.constant 0 : index
    %get3A_31 = vector.load %arg3[%get3A_29, %get3A_30] : memref<64x8xf32, #tpu.memory_space<vmem>>, vector<64x8xf32>
    %dot_general3A = arith.constant dense<0.000000e+00> : vector<8192x8xf32>
    %dot_general3A_32 = tpu.matmul %max3A_28, %get3A_31, %dot_general3A {dimension_numbers = #tpu.dot_dimension_numbers<[1], [0], [0], [1], [0, 0, 1, 1], [], []>, transpose_lhs_hint = false} : vector<8192x64xf32>, vector<64x8xf32>, vector<8192x8xf32> -> vector<8192x8xf32>
    %get3A_33 = arith.constant 0 : index
    %get3A_34 = arith.constant 0 : index
    %get3A_35 = vector.load %arg4[%get3A_33, %get3A_34] : memref<1x8xf32, #tpu.memory_space<vmem>>, vector<1x8xf32>
    %add3A_36 = vector.broadcast %get3A_35 : vector<1x8xf32> to vector<8192x8xf32>
    %add3A_37 = arith.addf %dot_general3A_32, %add3A_36 : vector<8192x8xf32>
    %swap3A = arith.constant 0 : index
    %swap3A_38 = arith.constant 0 : index
    %swap3A_39 = vector.load %arg7[%swap3A, %swap3A_38] : memref<8192x8xf32, #tpu.memory_space<vmem>>, vector<8192x8xf32>
    tpu.vector_store %arg7[%swap3A, %swap3A_38], %add3A_37 {strides = array<i32>} : memref<8192x8xf32, #tpu.memory_space<vmem>>, vector<8192x8xf32>,
    %reduce_sum3A = arith.constant dense<0.000000e+00> : vector<8xf32>
    %reduce_sum3A_40 = vector.multi_reduction <add>, %add3A_37, %reduce_sum3A [0] : vector<8192x8xf32> to vector<8xf32>
    %broadcast_in_dim3A = vector.shape_cast %reduce_sum3A_40 : vector<8xf32> to vector<1x8xf32>
    %mul3A_41 = arith.mulf %add3A_37, %add3A_37 : vector<8192x8xf32>
    %reduce_sum3A_42 = arith.constant dense<0.000000e+00> : vector<8xf32>
    %reduce_sum3A_43 = vector.multi_reduction <add>, %mul3A_41, %reduce_sum3A_42 [0] : vector<8192x8xf32> to vector<8xf32>
    %broadcast_in_dim3A_44 = vector.shape_cast %reduce_sum3A_43 : vector<8xf32> to vector<1x8xf32>
    %broadcast_in_dim3A_45 = arith.constant 0.000000e+00 : f32
    %broadcast_in_dim3A_46 = vector.broadcast %broadcast_in_dim3A_45 : f32 to vector<1x120xf32>
    %concatenate3A = tpu.concatenate %broadcast_in_dim3A, %broadcast_in_dim3A_46 in 1 : vector<1x8xf32>, vector<1x120xf32> -> vector<1x128xf32>
    %concatenate3A_47 = tpu.concatenate %broadcast_in_dim3A_44, %broadcast_in_dim3A_46 in 1 : vector<1x8xf32>, vector<1x120xf32> -> vector<1x128xf32>
    %broadcast_in_dim3A_48 = arith.constant 0.000000e+00 : f32
    %broadcast_in_dim3A_49 = vector.broadcast %broadcast_in_dim3A_48 : f32 to vector<6x128xf32>
    %concatenate3A_50 = tpu.concatenate %concatenate3A, %concatenate3A_47, %broadcast_in_dim3A_49 in 0 : vector<1x128xf32>, vector<1x128xf32>, vector<6x128xf32> -> vector<8x128xf32>
    %eq3A = arith.constant 0 : i32
    %eq3A_51 = arith.cmpi eq, %arg0, %eq3A : i32
    %convert_element_type3A = arith.extui %eq3A_51 : i1 to i32
    %cond3A = arith.constant 0 : i32
    %cond3A_52 = arith.cmpi ne, %convert_element_type3A, %cond3A : i32
    scf.if %cond3A_52 {
      %broadcast_in_dim3A_60 = arith.constant 0.000000e+00 : f32
      %broadcast_in_dim3A_61 = vector.broadcast %broadcast_in_dim3A_60 : f32 to vector<8x128xf32>
      %swap3A_62 = arith.constant 0 : index
      %swap3A_63 = arith.constant 0 : index
      %swap3A_64 = vector.load %arg8[%swap3A_62, %swap3A_63] : memref<8x128xf32, #tpu.memory_space<vmem>>, vector<8x128xf32>
      tpu.vector_store %arg8[%swap3A_62, %swap3A_63], %broadcast_in_dim3A_61 {strides = array<i32>} : memref<8x128xf32, #tpu.memory_space<vmem>>, vector<8x128xf32>,
    } else {
    }
    %get3A_53 = arith.constant 0 : index
    %get3A_54 = arith.constant 0 : index
    %get3A_55 = vector.load %arg8[%get3A_53, %get3A_54] : memref<8x128xf32, #tpu.memory_space<vmem>>, vector<8x128xf32>
    %add3A_56 = arith.addf %get3A_55, %concatenate3A_50 : vector<8x128xf32>
    %swap3A_57 = arith.constant 0 : index
    %swap3A_58 = arith.constant 0 : index
    %swap3A_59 = vector.load %arg8[%swap3A_57, %swap3A_58] : memref<8x128xf32, #tpu.memory_space<vmem>>, vector<8x128xf32>
    tpu.vector_store %arg8[%swap3A_57, %swap3A_58], %add3A_56 {strides = array<i32>} : memref<8x128xf32, #tpu.memory_space<vmem>>, vector<8x128xf32>,
    return
  }
  func.func @transform_0(%arg0: i32) -> (i32, i32) {
    %c0_i32 = arith.constant 0 : i32
    %c0_i32_0 = arith.constant 0 : i32
    return %arg0, %c0_i32 : i32, i32
  }
  func.func @transform_1(%arg0: i32) -> (i32, i32) {
    %c0_i32 = arith.constant 0 : i32
    %c0_i32_0 = arith.constant 0 : i32
    %c0_i32_1 = arith.constant 0 : i32
    return %c0_i32, %c0_i32_0 : i32, i32
  }
  func.func @transform_2(%arg0: i32) -> (i32, i32) {
    %c0_i32 = arith.constant 0 : i32
    %c0_i32_0 = arith.constant 0 : i32
    %c0_i32_1 = arith.constant 0 : i32
    return %c0_i32, %c0_i32_0 : i32, i32
  }
  func.func @transform_3(%arg0: i32) -> (i32, i32) {
    %c0_i32 = arith.constant 0 : i32
    %c0_i32_0 = arith.constant 0 : i32
    %c0_i32_1 = arith.constant 0 : i32
    return %c0_i32, %c0_i32_0 : i32, i32
  }
  func.func @transform_4(%arg0: i32) -> (i32, i32) {
    %c0_i32 = arith.constant 0 : i32
    %c0_i32_0 = arith.constant 0 : i32
    %c0_i32_1 = arith.constant 0 : i32
    return %c0_i32, %c0_i32_0 : i32, i32
  }
  func.func @transform_5(%arg0: i32) -> (i32, i32) {
    %c0_i32 = arith.constant 0 : i32
    %c0_i32_0 = arith.constant 0 : i32
    %c0_i32_1 = arith.constant 0 : i32
    return %c0_i32, %c0_i32_0 : i32, i32
  }
  func.func @transform_6(%arg0: i32) -> (i32, i32) {
    %c0_i32 = arith.constant 0 : i32
    %c0_i32_0 = arith.constant 0 : i32
    return %arg0, %c0_i32 : i32, i32
  }
  func.func @transform_7(%arg0: i32) -> (i32, i32) {
    %c0_i32 = arith.constant 0 : i32
    %c0_i32_0 = arith.constant 0 : i32
    %c0_i32_1 = arith.constant 0 : i32
    return %c0_i32, %c0_i32_0 : i32, i32
  }
}

module attributes {stable_mosaic.version = 14 : i64} {
  func.func @_passD_body(%arg0: i32, %arg1: memref<4096x8xf32, #tpu.memory_space<vmem>>, %arg2: memref<8x128xf32, #tpu.memory_space<vmem>>, %arg3: memref<4096x64xf32, #tpu.memory_space<vmem>>, %arg4: memref<4096x16xf32, #tpu.memory_space<vmem>>, %arg5: memref<256x16xf32, #tpu.memory_space<vmem>>, %arg6: memref<8x128xf32, #tpu.memory_space<vmem>>, %arg7: memref<16x16xf32, #tpu.memory_space<vmem>>, %arg8: memref<1x16xf32, #tpu.memory_space<vmem>>, %arg9: memref<1x16xf32, #tpu.memory_space<vmem>>, %arg10: memref<1x16xf32, #tpu.memory_space<vmem>>, %arg11: memref<16x64xf32, #tpu.memory_space<vmem>>, %arg12: memref<1x64xf32, #tpu.memory_space<vmem>>, %arg13: memref<8x8xf32, #tpu.memory_space<vmem>>, %arg14: memref<1x8xf32, #tpu.memory_space<vmem>>, %arg15: memref<1x8xf32, #tpu.memory_space<vmem>>, %arg16: memref<1x8xf32, #tpu.memory_space<vmem>>, %arg17: memref<256x64xf32, #tpu.memory_space<vmem>>) attributes {dimension_semantics = [#tpu.dimension_semantics<arbitrary>], iteration_bounds = array<i64: 64>, scalar_prefetch = 0 : i64, scratch_operands = 0 : i64, tpu.core_type = #tpu.core_type<tc>, window_params = [{transform_indices = @transform_0, window_bounds = array<i64: 4096, 8>}, {pipeline_mode = #tpu.pipeline_mode<synchronous>, transform_indices = @transform_1, window_bounds = array<i64: 8, 128>}, {transform_indices = @transform_2, window_bounds = array<i64: 4096, 64>}, {transform_indices = @transform_3, window_bounds = array<i64: 4096, 16>}, {transform_indices = @transform_4, window_bounds = array<i64: 256, 16>}, {pipeline_mode = #tpu.pipeline_mode<synchronous>, transform_indices = @transform_5, window_bounds = array<i64: 8, 128>}, {pipeline_mode = #tpu.pipeline_mode<synchronous>, transform_indices = @transform_6, window_bounds = array<i64: 16, 16>}, {pipeline_mode = #tpu.pipeline_mode<synchronous>, transform_indices = @transform_7, window_bounds = array<i64: 1, 16>}, {pipeline_mode = #tpu.pipeline_mode<synchronous>, transform_indices = @transform_8, window_bounds = array<i64: 1, 16>}, {pipeline_mode = #tpu.pipeline_mode<synchronous>, transform_indices = @transform_9, window_bounds = array<i64: 1, 16>}, {pipeline_mode = #tpu.pipeline_mode<synchronous>, transform_indices = @transform_10, window_bounds = array<i64: 16, 64>}, {pipeline_mode = #tpu.pipeline_mode<synchronous>, transform_indices = @transform_11, window_bounds = array<i64: 1, 64>}, {pipeline_mode = #tpu.pipeline_mode<synchronous>, transform_indices = @transform_12, window_bounds = array<i64: 8, 8>}, {pipeline_mode = #tpu.pipeline_mode<synchronous>, transform_indices = @transform_13, window_bounds = array<i64: 1, 8>}, {pipeline_mode = #tpu.pipeline_mode<synchronous>, transform_indices = @transform_14, window_bounds = array<i64: 1, 8>}, {pipeline_mode = #tpu.pipeline_mode<synchronous>, transform_indices = @transform_15, window_bounds = array<i64: 1, 8>}, {transform_indices = @transform_16, window_bounds = array<i64: 256, 64>}]} {
    %get3A = arith.constant 0 : index
    %get3A_0 = arith.constant 0 : index
    %get3A_1 = vector.load %arg2[%get3A, %get3A_0] : memref<8x128xf32, #tpu.memory_space<vmem>>, vector<8x128xf32>
    %slice3A = vector.extract_strided_slice %get3A_1 {offsets = [0, 0], sizes = [1, 8], strides = [1, 1]} : vector<8x128xf32> to vector<1x8xf32>
    %div3A = arith.constant 2.621440e+05 : f32
    %div3A_2 = vector.broadcast %div3A : f32 to vector<1x8xf32>
    %div3A_3 = arith.divf %slice3A, %div3A_2 : vector<1x8xf32>
    %slice3A_4 = vector.extract_strided_slice %get3A_1 {offsets = [1, 0], sizes = [1, 8], strides = [1, 1]} : vector<8x128xf32> to vector<1x8xf32>
    %div3A_5 = arith.constant 2.621440e+05 : f32
    %div3A_6 = vector.broadcast %div3A_5 : f32 to vector<1x8xf32>
    %div3A_7 = arith.divf %slice3A_4, %div3A_6 : vector<1x8xf32>
    %mul3A = arith.mulf %div3A_3, %div3A_3 : vector<1x8xf32>
    %sub3A = arith.subf %div3A_7, %mul3A : vector<1x8xf32>
    %add3A = arith.constant 9.99999974E-6 : f32
    %add3A_8 = vector.broadcast %add3A : f32 to vector<1x8xf32>
    %add3A_9 = arith.addf %sub3A, %add3A_8 : vector<1x8xf32>
    %rsqrt3A = math.rsqrt %add3A_9 : vector<1x8xf32>
    %get3A_10 = arith.constant 0 : index
    %get3A_11 = arith.constant 0 : index
    %get3A_12 = vector.load %arg1[%get3A_10, %get3A_11] : memref<4096x8xf32, #tpu.memory_space<vmem>>, vector<4096x8xf32>
    %sub3A_13 = vector.broadcast %div3A_3 : vector<1x8xf32> to vector<4096x8xf32>
    %sub3A_14 = arith.subf %get3A_12, %sub3A_13 : vector<4096x8xf32>
    %mul3A_15 = vector.broadcast %rsqrt3A : vector<1x8xf32> to vector<4096x8xf32>
    %mul3A_16 = arith.mulf %sub3A_14, %mul3A_15 : vector<4096x8xf32>
    %get3A_17 = arith.constant 0 : index
    %get3A_18 = arith.constant 0 : index
    %get3A_19 = vector.load %arg15[%get3A_17, %get3A_18] : memref<1x8xf32, #tpu.memory_space<vmem>>, vector<1x8xf32>
    %mul3A_20 = vector.broadcast %get3A_19 : vector<1x8xf32> to vector<4096x8xf32>
    %mul3A_21 = arith.mulf %mul3A_16, %mul3A_20 : vector<4096x8xf32>
    %get3A_22 = arith.constant 0 : index
    %get3A_23 = arith.constant 0 : index
    %get3A_24 = vector.load %arg16[%get3A_22, %get3A_23] : memref<1x8xf32, #tpu.memory_space<vmem>>, vector<1x8xf32>
    %add3A_25 = vector.broadcast %get3A_24 : vector<1x8xf32> to vector<4096x8xf32>
    %add3A_26 = arith.addf %mul3A_21, %add3A_25 : vector<4096x8xf32>
    %max3A = arith.constant 0.000000e+00 : f32
    %max3A_27 = vector.broadcast %max3A : f32 to vector<4096x8xf32>
    %max3A_28 = arith.maximumf %add3A_26, %max3A_27 : vector<4096x8xf32>
    %get3A_29 = arith.constant 0 : index
    %get3A_30 = arith.constant 0 : index
    %get3A_31 = vector.load %arg13[%get3A_29, %get3A_30] : memref<8x8xf32, #tpu.memory_space<vmem>>, vector<8x8xf32>
    %dot_general3A = arith.constant dense<0.000000e+00> : vector<4096x8xf32>
    %dot_general3A_32 = tpu.matmul %max3A_28, %get3A_31, %dot_general3A {dimension_numbers = #tpu.dot_dimension_numbers<[1], [0], [0], [1], [0, 0, 1, 1], [], []>, transpose_lhs_hint = false} : vector<4096x8xf32>, vector<8x8xf32>, vector<4096x8xf32> -> vector<4096x8xf32>
    %get3A_33 = arith.constant 0 : index
    %get3A_34 = arith.constant 0 : index
    %get3A_35 = vector.load %arg14[%get3A_33, %get3A_34] : memref<1x8xf32, #tpu.memory_space<vmem>>, vector<1x8xf32>
    %add3A_36 = vector.broadcast %get3A_35 : vector<1x8xf32> to vector<4096x8xf32>
    %add3A_37 = arith.addf %dot_general3A_32, %add3A_36 : vector<4096x8xf32>
    %reshape3A = vector.shape_cast %add3A_37 : vector<4096x8xf32> to vector<256x16x8xf32>
    %reduce_max3A = arith.constant dense<0xFF800000> : vector<256x8xf32>
    %reduce_max3A_38 = vector.multi_reduction <maximumf>, %reshape3A, %reduce_max3A [1] : vector<256x16x8xf32> to vector<256x8xf32>
    %broadcast_in_dim3A = vector.shape_cast %reduce_max3A_38 : vector<256x8xf32> to vector<256x1x8xf32>
    %sub3A_39 = vector.broadcast %broadcast_in_dim3A : vector<256x1x8xf32> to vector<256x16x8xf32>
    %sub3A_40 = arith.subf %reshape3A, %sub3A_39 : vector<256x16x8xf32>
    %exp3A = math.exp %sub3A_40 : vector<256x16x8xf32>
    %reduce_sum3A = arith.constant dense<0.000000e+00> : vector<256x8xf32>
    %reduce_sum3A_41 = vector.multi_reduction <add>, %exp3A, %reduce_sum3A [1] : vector<256x16x8xf32> to vector<256x8xf32>
    %broadcast_in_dim3A_42 = vector.shape_cast %reduce_sum3A_41 : vector<256x8xf32> to vector<256x1x8xf32>
    %div3A_43 = vector.broadcast %broadcast_in_dim3A_42 : vector<256x1x8xf32> to vector<256x16x8xf32>
    %div3A_44 = arith.divf %exp3A, %div3A_43 : vector<256x16x8xf32>
    %reshape3A_45 = vector.shape_cast %div3A_44 : vector<256x16x8xf32> to vector<4096x8xf32>
    %get3A_46 = arith.constant 0 : index
    %get3A_47 = arith.constant 0 : index
    %get3A_48 = vector.load %arg6[%get3A_46, %get3A_47] : memref<8x128xf32, #tpu.memory_space<vmem>>, vector<8x128xf32>
    %slice3A_49 = vector.extract_strided_slice %get3A_48 {offsets = [0, 0], sizes = [1, 16], strides = [1, 1]} : vector<8x128xf32> to vector<1x16xf32>
    %div3A_50 = arith.constant 2.621440e+05 : f32
    %div3A_51 = vector.broadcast %div3A_50 : f32 to vector<1x16xf32>
    %div3A_52 = arith.divf %slice3A_49, %div3A_51 : vector<1x16xf32>
    %slice3A_53 = vector.extract_strided_slice %get3A_48 {offsets = [1, 0], sizes = [1, 16], strides = [1, 1]} : vector<8x128xf32> to vector<1x16xf32>
    %div3A_54 = arith.constant 2.621440e+05 : f32
    %div3A_55 = vector.broadcast %div3A_54 : f32 to vector<1x16xf32>
    %div3A_56 = arith.divf %slice3A_53, %div3A_55 : vector<1x16xf32>
    %mul3A_57 = arith.mulf %div3A_52, %div3A_52 : vector<1x16xf32>
    %sub3A_58 = arith.subf %div3A_56, %mul3A_57 : vector<1x16xf32>
    %add3A_59 = arith.constant 9.99999974E-6 : f32
    %add3A_60 = vector.broadcast %add3A_59 : f32 to vector<1x16xf32>
    %add3A_61 = arith.addf %sub3A_58, %add3A_60 : vector<1x16xf32>
    %rsqrt3A_62 = math.rsqrt %add3A_61 : vector<1x16xf32>
    %get3A_63 = arith.constant 0 : index
    %get3A_64 = arith.constant 0 : index
    %get3A_65 = vector.load %arg4[%get3A_63, %get3A_64] : memref<4096x16xf32, #tpu.memory_space<vmem>>, vector<4096x16xf32>
    %get3A_66 = arith.constant 0 : index
    %get3A_67 = arith.constant 0 : index
    %get3A_68 = vector.load %arg5[%get3A_66, %get3A_67] : memref<256x16xf32, #tpu.memory_space<vmem>>, vector<256x16xf32>
    %get3A_69 = arith.constant 0 : index
    %get3A_70 = arith.constant 0 : index
    %get3A_71 = vector.load %arg7[%get3A_69, %get3A_70] : memref<16x16xf32, #tpu.memory_space<vmem>>, vector<16x16xf32>
    %get3A_72 = arith.constant 0 : index
    %get3A_73 = arith.constant 0 : index
    %get3A_74 = vector.load %arg8[%get3A_72, %get3A_73] : memref<1x16xf32, #tpu.memory_space<vmem>>, vector<1x16xf32>
    %broadcast_in_dim3A_75 = vector.shape_cast %get3A_68 : vector<256x16xf32> to vector<256x1x16xf32>
    %broadcast_in_dim3A_76 = vector.broadcast %broadcast_in_dim3A_75 : vector<256x1x16xf32> to vector<256x16x16xf32>
    %reshape3A_77 = vector.shape_cast %broadcast_in_dim3A_76 : vector<256x16x16xf32> to vector<4096x16xf32>
    %sub3A_78 = arith.subf %get3A_65, %reshape3A_77 : vector<4096x16xf32>
    %dot_general3A_79 = arith.constant dense<0.000000e+00> : vector<4096x16xf32>
    %dot_general3A_80 = tpu.matmul %sub3A_78, %get3A_71, %dot_general3A_79 {dimension_numbers = #tpu.dot_dimension_numbers<[1], [0], [0], [1], [0, 0, 1, 1], [], []>, transpose_lhs_hint = false} : vector<4096x16xf32>, vector<16x16xf32>, vector<4096x16xf32> -> vector<4096x16xf32>
    %add3A_81 = vector.broadcast %get3A_74 : vector<1x16xf32> to vector<4096x16xf32>
    %add3A_82 = arith.addf %dot_general3A_80, %add3A_81 : vector<4096x16xf32>
    %get3A_83 = arith.constant 0 : index
    %get3A_84 = arith.constant 0 : index
    %get3A_85 = vector.load %arg9[%get3A_83, %get3A_84] : memref<1x16xf32, #tpu.memory_space<vmem>>, vector<1x16xf32>
    %get3A_86 = arith.constant 0 : index
    %get3A_87 = arith.constant 0 : index
    %get3A_88 = vector.load %arg10[%get3A_86, %get3A_87] : memref<1x16xf32, #tpu.memory_space<vmem>>, vector<1x16xf32>
    %get3A_89 = arith.constant 0 : index
    %get3A_90 = arith.constant 0 : index
    %get3A_91 = vector.load %arg11[%get3A_89, %get3A_90] : memref<16x64xf32, #tpu.memory_space<vmem>>, vector<16x64xf32>
    %get3A_92 = arith.constant 0 : index
    %get3A_93 = arith.constant 0 : index
    %get3A_94 = vector.load %arg12[%get3A_92, %get3A_93] : memref<1x64xf32, #tpu.memory_space<vmem>>, vector<1x64xf32>
    %sub3A_95 = vector.broadcast %div3A_52 : vector<1x16xf32> to vector<4096x16xf32>
    %sub3A_96 = arith.subf %add3A_82, %sub3A_95 : vector<4096x16xf32>
    %mul3A_97 = vector.broadcast %rsqrt3A_62 : vector<1x16xf32> to vector<4096x16xf32>
    %mul3A_98 = arith.mulf %sub3A_96, %mul3A_97 : vector<4096x16xf32>
    %mul3A_99 = vector.broadcast %get3A_85 : vector<1x16xf32> to vector<4096x16xf32>
    %mul3A_100 = arith.mulf %mul3A_98, %mul3A_99 : vector<4096x16xf32>
    %add3A_101 = vector.broadcast %get3A_88 : vector<1x16xf32> to vector<4096x16xf32>
    %add3A_102 = arith.addf %mul3A_100, %add3A_101 : vector<4096x16xf32>
    %max3A_103 = arith.constant 0.000000e+00 : f32
    %max3A_104 = vector.broadcast %max3A_103 : f32 to vector<4096x16xf32>
    %max3A_105 = arith.maximumf %add3A_102, %max3A_104 : vector<4096x16xf32>
    %dot_general3A_106 = arith.constant dense<0.000000e+00> : vector<4096x64xf32>
    %dot_general3A_107 = tpu.matmul %max3A_105, %get3A_91, %dot_general3A_106 {dimension_numbers = #tpu.dot_dimension_numbers<[1], [0], [0], [1], [0, 0, 1, 1], [], []>, transpose_lhs_hint = false} : vector<4096x16xf32>, vector<16x64xf32>, vector<4096x64xf32> -> vector<4096x64xf32>
    %add3A_108 = vector.broadcast %get3A_94 : vector<1x64xf32> to vector<4096x64xf32>
    %add3A_109 = arith.addf %dot_general3A_107, %add3A_108 : vector<4096x64xf32>
    %get3A_110 = arith.constant 0 : index
    %get3A_111 = arith.constant 0 : index
    %get3A_112 = vector.load %arg3[%get3A_110, %get3A_111] : memref<4096x64xf32, #tpu.memory_space<vmem>>, vector<4096x64xf32>
    %add3A_113 = arith.addf %get3A_112, %add3A_109 : vector<4096x64xf32>
    %tile3A = tpu.concatenate %reshape3A_45, %reshape3A_45, %reshape3A_45, %reshape3A_45, %reshape3A_45, %reshape3A_45, %reshape3A_45, %reshape3A_45 in 1 : vector<4096x8xf32>, vector<4096x8xf32>, vector<4096x8xf32>, vector<4096x8xf32>, vector<4096x8xf32>, vector<4096x8xf32>, vector<4096x8xf32>, vector<4096x8xf32> -> vector<4096x64xf32>
    %mul3A_114 = arith.mulf %add3A_113, %tile3A : vector<4096x64xf32>
    %reshape3A_115 = vector.shape_cast %mul3A_114 : vector<4096x64xf32> to vector<256x16x64xf32>
    %reduce_sum3A_116 = arith.constant dense<0.000000e+00> : vector<256x64xf32>
    %reduce_sum3A_117 = vector.multi_reduction <add>, %reshape3A_115, %reduce_sum3A_116 [1] : vector<256x16x64xf32> to vector<256x64xf32>
    %swap3A = arith.constant 0 : index
    %swap3A_118 = arith.constant 0 : index
    %swap3A_119 = vector.load %arg17[%swap3A, %swap3A_118] : memref<256x64xf32, #tpu.memory_space<vmem>>, vector<256x64xf32>
    tpu.vector_store %arg17[%swap3A, %swap3A_118], %reduce_sum3A_117 {strides = array<i32>} : memref<256x64xf32, #tpu.memory_space<vmem>>, vector<256x64xf32>,
    return
  }
  func.func @transform_0(%arg0: i32) -> (i32, i32) {
    %c0_i32 = arith.constant 0 : i32
    %c0_i32_0 = arith.constant 0 : i32
    return %arg0, %c0_i32 : i32, i32
  }
  func.func @transform_1(%arg0: i32) -> (i32, i32) {
    %c0_i32 = arith.constant 0 : i32
    %c0_i32_0 = arith.constant 0 : i32
    %c0_i32_1 = arith.constant 0 : i32
    return %c0_i32, %c0_i32_0 : i32, i32
  }
  func.func @transform_2(%arg0: i32) -> (i32, i32) {
    %c0_i32 = arith.constant 0 : i32
    %c0_i32_0 = arith.constant 0 : i32
    return %arg0, %c0_i32 : i32, i32
  }
  func.func @transform_3(%arg0: i32) -> (i32, i32) {
    %c0_i32 = arith.constant 0 : i32
    %c0_i32_0 = arith.constant 0 : i32
    return %arg0, %c0_i32 : i32, i32
  }
  func.func @transform_4(%arg0: i32) -> (i32, i32) {
    %c0_i32 = arith.constant 0 : i32
    %c0_i32_0 = arith.constant 0 : i32
    return %arg0, %c0_i32 : i32, i32
  }
  func.func @transform_5(%arg0: i32) -> (i32, i32) {
    %c0_i32 = arith.constant 0 : i32
    %c0_i32_0 = arith.constant 0 : i32
    %c0_i32_1 = arith.constant 0 : i32
    return %c0_i32, %c0_i32_0 : i32, i32
  }
  func.func @transform_6(%arg0: i32) -> (i32, i32) {
    %c0_i32 = arith.constant 0 : i32
    %c0_i32_0 = arith.constant 0 : i32
    %c0_i32_1 = arith.constant 0 : i32
    return %c0_i32, %c0_i32_0 : i32, i32
  }
  func.func @transform_7(%arg0: i32) -> (i32, i32) {
    %c0_i32 = arith.constant 0 : i32
    %c0_i32_0 = arith.constant 0 : i32
    %c0_i32_1 = arith.constant 0 : i32
    return %c0_i32, %c0_i32_0 : i32, i32
  }
  func.func @transform_8(%arg0: i32) -> (i32, i32) {
    %c0_i32 = arith.constant 0 : i32
    %c0_i32_0 = arith.constant 0 : i32
    %c0_i32_1 = arith.constant 0 : i32
    return %c0_i32, %c0_i32_0 : i32, i32
  }
  func.func @transform_9(%arg0: i32) -> (i32, i32) {
    %c0_i32 = arith.constant 0 : i32
    %c0_i32_0 = arith.constant 0 : i32
    %c0_i32_1 = arith.constant 0 : i32
    return %c0_i32, %c0_i32_0 : i32, i32
  }
  func.func @transform_10(%arg0: i32) -> (i32, i32) {
    %c0_i32 = arith.constant 0 : i32
    %c0_i32_0 = arith.constant 0 : i32
    %c0_i32_1 = arith.constant 0 : i32
    return %c0_i32, %c0_i32_0 : i32, i32
  }
  func.func @transform_11(%arg0: i32) -> (i32, i32) {
    %c0_i32 = arith.constant 0 : i32
    %c0_i32_0 = arith.constant 0 : i32
    %c0_i32_1 = arith.constant 0 : i32
    return %c0_i32, %c0_i32_0 : i32, i32
  }
  func.func @transform_12(%arg0: i32) -> (i32, i32) {
    %c0_i32 = arith.constant 0 : i32
    %c0_i32_0 = arith.constant 0 : i32
    %c0_i32_1 = arith.constant 0 : i32
    return %c0_i32, %c0_i32_0 : i32, i32
  }
  func.func @transform_13(%arg0: i32) -> (i32, i32) {
    %c0_i32 = arith.constant 0 : i32
    %c0_i32_0 = arith.constant 0 : i32
    %c0_i32_1 = arith.constant 0 : i32
    return %c0_i32, %c0_i32_0 : i32, i32
  }
  func.func @transform_14(%arg0: i32) -> (i32, i32) {
    %c0_i32 = arith.constant 0 : i32
    %c0_i32_0 = arith.constant 0 : i32
    %c0_i32_1 = arith.constant 0 : i32
    return %c0_i32, %c0_i32_0 : i32, i32
  }
  func.func @transform_15(%arg0: i32) -> (i32, i32) {
    %c0_i32 = arith.constant 0 : i32
    %c0_i32_0 = arith.constant 0 : i32
    %c0_i32_1 = arith.constant 0 : i32
    return %c0_i32, %c0_i32_0 : i32, i32
  }
  func.func @transform_16(%arg0: i32) -> (i32, i32) {
    %c0_i32 = arith.constant 0 : i32
    %c0_i32_0 = arith.constant 0 : i32
    return %arg0, %c0_i32 : i32, i32
  }
}

</mosaic_0001>

<sc_bundles>
// kernel: kernel.12.cloned.1.call-start
scs
__scs_entry_jumppad:
0x0: {  	(pc) =	sbr.rel $0x88, $3  }
0x1: {  	(tag) =	ssettag $0x0;
	lr =	simm.s32 $0x1  }
0x2: {  	[smem:$0x3F8B] =	sst lr;
	_ =	strace $0xD0000000  }
0x3: {  	_ = 	snop  }
0x4: {  	_ = 	snop  }
0x5: {  	_ = 	snop  }
0x6: {  	_ = 	snop  }
0x7: {  	_ = 	snop  }
__scs_overlays_trampoline_lowered:
0x8: {  	[smem:$0x3F9A] =	sst s0  }
0x9: {  	[smem:$0x3F9B] =	sst s1  }
0xa: {  	[smem:$0x3F9C] =	sst s2  }
0xb: {  	[smem:$0x3F9D] =	sst s3  }
0xc: {  	[smem:$0x3F9E] =	sst s4  }
0xd: {  	[smem:$0x3F9F] =	sst s5  }
0xe: {  	[smem:$0x3FA0] =	sst s6  }
0xf: {  	[smem:$0x3FA1] =	sst s7  }
0x10: {  	[smem:$0x3FA2] =	sst s8  }
0x11: {  	[smem:$0x3FA3] =	sst s9;
	s0 =	simm.s32 @!p0 $0x0  }
0x12: {  	s1 =	sld [smem:$0x3F89];
	s0 =	simm.s32 @p0 $0x1  }
0x13: {  	[smem:$0x3FA4] =	sst s0;
	s0 =	simm.s32 @!p1 $0x0  }
0x14: {  	s2 =	sld [smem:$0x3F88];
	s0 =	simm.s32 @p1 $0x1  }
0x15: {  	[smem:$0x3FA5] =	sst s0;
	s0 =	simm.s32 @!p2 $0x0  }
0x16: {  	s3 =	sld [smem:$0x3FDB];
	s0 =	simm.s32 @p2 $0x1  }
0x17: {  	s4 =	simm.s32 $0x1BF5;
	[smem:$0x3FA7] =	sst s0  }
0x18: {  	s0 =	sld [smem:$0x3F8A];
	_ =	swait.ge [sflag:s4], $0x0  }
0x19: {  	s7 =	sld [smem:$0x3F8B]  }
0x1a: {  	s8 =	sadd.s32 $0xFFFFE003, lr  }
0x1b: {  	s9 =	sadd.s32 $0xFFFFFEF7, lr;
	s5 =	simm.s32 $0xFFFFFFFF;
	p2 =	slt.u32 s8, $0xFFFFF086  }
0x1c: {  	p1 =	slt.u32 s9, $0xF7A;
	s5 =	simm.s32 @!p2 $0x0  }
0x1d: {  	s5 =	simm.s32 @p1 $0x1;
	p0 =	seq.s32 s7, s2  }
0x1e: {  	s7 =	smul.u32 @!p0 $0xF7A, s2;
	p2 =	seq.s32 @!p0 s5, $0x0  }
0x1f: {  	s9 =	smul.u32 $0xF7A, s1;
	s8 =	simm.s32 @!p0 $0x1BF5;
	p2 =	por !p2, p0  }
0x20: {  	[sflag:s8] =	ssyncset.s32 @!p0 $0xFFFFF086;
	s6 =	sadd.s32 @!p0 s3, s7;
	s7 =	simm.s32 @!p0 $0x108  }
0x21: {  	s3 =	sadd.s32 s3, s9;
	s6 =	sadd.s32 @!p0 $0x88, s6;
	s7 =	simm.s32 @p2 $0x1082  }
0x22: {  	[simem:s7], [sflag:s8] =	dma.local @!p0 [hbm:s6], $0xF7A  }
0x23: {  	s9 =	sor.u32 $0xD0000000, s2;
	s6 =	simm.s32 $0x108;
	_ =	swait.ge @!p0 [sflag:s8], $0x0  }
0x24: {  	s3 =	sadd.s32 $0x88, s3;
	s6 =	simm.s32 @!p1 $0x1082;
	[sflag:s4] =	ssyncset.s32 $0xFFFFF086  }
0x25: {  	[simem:s6], [sflag:s4] =	dma.local [hbm:s3], $0xF7A  }
0x26: {  	[smem:$0x3F8B] =	sst s1;
	(tag) =	ssettag s2;
	_ =	strace s9  }
0x27: {  	s1 =	sld [smem:$0x3F9B]  }
0x28: {  	s2 =	sld [smem:$0x3F9C]  }
0x29: {  	s4 =	sld [smem:$0x3F9E]  }
0x2a: {  	p0 =	seq.s32 s5, $0x0;
	s5 =	sld [smem:$0x3F9F]  }
0x2b: {  	s6 =	sld [smem:$0x3FA0]  }
0x2c: {  	s7 =	sld [smem:$0x3FA1]  }
0x2d: {  	s3 =	simm.s32 $0x108;
	s8 =	sld [smem:$0x3FA2]  }
0x2e: {  	s3 =	simm.s32 @!p0 $0x1082;
	s9 =	sld [smem:$0x3FA3]  }
0x2f: {  	lr =	sadd.s32 s0, s3;
	s0 =	sld [smem:$0x3F9A]  }
0x30: {  	s3 =	sld [smem:$0x3F9D]  }
0x31: {  	[smem:$0x3FA6] =	sst s10  }
0x32: {  	s10 =	sld [smem:$0x3FA4];
	_ =	sdelay $0x3  }
0x33: {  	p0 =	seq.s32 s10, $0x1;
	s10 =	sld [smem:$0x3FA6];
	_ =	sdelay $0x3  }
0x34: {  	[smem:$0x3FA6] =	sst s10  }
0x35: {  	s10 =	sld [smem:$0x3FA5];
	_ =	sdelay $0x3  }
0x36: {  	p1 =	seq.s32 s10, $0x1;
	s10 =	sld [smem:$0x3FA6];
	_ =	sdelay $0x3  }
0x37: {  	[smem:$0x3FA6] =	sst s10  }
0x38: {  	s10 =	sld [smem:$0x3FA7]  }
0x39: {  	_ = 	snop;
	(pc) =	sbr.ind lr, $3  }
0x3a: {  	_ = 	snop  }
0x3b: {  	_ = 	snop  }
0x3c: {  	p2 =	seq.s32 s10, $0x1;
	s10 =	sld [smem:$0x3FA6]  }
0x3d: {  	_ =	shalt  }
0x3e: {  	_ =	shalt  }
0x3f: {  	_ =	shalt  }
0x40: {  	_ =	shalt  }
0x41: {  	_ =	shalt  }
0x42: {  	_ =	shalt  }
0x43: {  	_ =	shalt  }
0x44: {  	_ =	shalt  }
0x45: {  	_ =	shalt  }
0x46: {  	_ =	shalt  }
0x47: {  	_ =	shalt  }
0x48: {  	_ =	shalt  }
0x49: {  	_ =	shalt  }
0x4a: {  	_ =	shalt  }
0x4b: {  	_ =	shalt  }
0x4c: {  	_ =	shalt  }
0x4d: {  	_ =	shalt  }
0x4e: {  	_ =	shalt  }
0x4f: {  	_ =	shalt  }
0x50: {  	_ =	shalt  }
0x51: {  	_ =	shalt  }
0x52: {  	_ =	shalt  }
0x53: {  	_ =	shalt  }
0x54: {  	_ =	shalt  }
0x55: {  	_ =	shalt  }
0x56: {  	_ =	shalt  }
0x57: {  	_ =	shalt  }
0x58: {  	_ =	shalt  }
0x59: {  	_ =	shalt  }
0x5a: {  	_ =	shalt  }
0x5b: {  	_ =	shalt  }
0x5c: {  	_ =	shalt  }
0x5d: {  	_ =	shalt  }
0x5e: {  	_ =	shalt  }
0x5f: {  	_ =	shalt  }
0x60: {  	_ =	shalt  }
0x61: {  	_ =	shalt  }
0x62: {  	_ =	shalt  }
0x63: {  	_ =	shalt  }
0x64: {  	_ =	shalt  }
0x65: {  	_ =	shalt  }
0x66: {  	_ =	shalt  }
0x67: {  	_ =	shalt  }
0x68: {  	_ =	shalt  }
0x69: {  	_ =	shalt  }
0x6a: {  	_ =	shalt  }
0x6b: {  	_ =	shalt  }
0x6c: {  	_ =	shalt  }
0x6d: {  	_ =	shalt  }
0x6e: {  	_ =	shalt  }
0x6f: {  	_ =	shalt  }
0x70: {  	_ =	shalt  }
0x71: {  	_ =	shalt  }
0x72: {  	_ =	shalt  }
0x73: {  	_ =	shalt  }
0x74: {  	_ =	shalt  }
0x75: {  	_ =	shalt  }
0x76: {  	_ =	shalt  }
0x77: {  	_ =	shalt  }
0x78: {  	_ =	shalt  }
0x79: {  	_ =	shalt  }
0x7a: {  	_ =	shalt  }
0x7b: {  	_ =	shalt  }
0x7c: {  	_ =	shalt  }
0x7d: {  	_ =	shalt  }
0x7e: {  	_ =	shalt  }
0x7f: {  	_ =	shalt  }
0x80: {  	_ =	shalt  }
0x81: {  	_ =	shalt  }
0x82: {  	_ =	shalt  }
0x83: {  	_ =	shalt  }
0x84: {  	_ =	shalt  }
0x85: {  	_ =	shalt  }
0x86: {  	_ =	shalt  }
0x87: {  	_ =	shalt  }
.Lfunc_end0:
.L_simem_size_0:
called_computation.1_lowered:
.L_overlay_start_0:
0x88: {  	s2 =	sld [smem:$0x3FD9]  }
0x89: {  	s3 =	sld [smem:$0x3FFE];
	_ =	sdelay $0x1  }
0x8a: {  	s1 =	srdreg.scid  }
0x8b: {  	s0 =	sand.u32 $0x1, s1  }
0x8c: {  	s17 =	sshll.u32 s0, $0xA;
	s2 =	sadd.s32 s3, s2  }
0x8d: {  	s2 =	sadd.s32 s2, s17  }
0x8e: {  	[smem:$0x3FB2] =	sst s2  }
0x8f: {  	_ = 	snop  }
0x90: {  	s18 =	sld [smem:$0x3FD0];
	(tm) =	ssettm $0x1  }
0x91: {  	s19 =	sld [smem:$0x3FFB];
	_ =	sdelay $0x3  }
0x92: {  	_ =	strace s19  }
0x93: {  	s2 =	sld [smem:$0x3FFC];
	_ =	sdelay $0x3  }
0x94: {  	_ =	strace s2  }
0x95: {  	s2 =	sld [smem:$0x3FFD];
	_ =	sdelay $0x3  }
0x96: {  	_ =	strace s2  }
0x97: {  	_ =	strace $0x8FFFFFFF  }
0x98: {  	s20 =	sld [smem:$0x3FDB];
	_ =	sdelay $0x1  }
0x99: {  	s4 =	simm.s32 $_scs_section_size  }
0x9a: {  	s5 =	simm.s32 $_size__tile_overlayer_lowered;
	s6 =	simm.s32 $_tile_overlayer_lowered  }
0x9b: {  	s7 =	simm.s32 $0x1BFF;
	s21 =	sshll.u32 s6, $0x1;
	s4 =	sadd.s32 s4, s20  }
0x9c: {  	s22 =	simm.s32 $0x0;
	s5 =	sshll.u32 s5, $0x1;
	s6 =	sadd.s32 s21, s4  }
0x9d: {  	[timem:s22], [sflag:s7] =	dma.local [hbm:s6], s5  }
0x9e: {  	_ =	swait.ge [sflag:s7], s5  }
0x9f: {  	s5 =	ssub.s32 $0x0, s5;
	[sflag:s7] =	ssyncset.done $0x0  }
0xa0: {  	[sflag:s7] =	ssyncadd.s32 s5;
	_ =	sdelay $0x1  }
0xa1: {  	s23 =	simm.s32 $0x1B8B  }
0xa2: {  	_ =	swait.ge [sflag:s23], $0x1  }
0xa3: {  	[sflag:s23] =	ssyncset.done $0x0  }
0xa4: {  	[sflag:s23] =	ssyncadd.s32 $0xFFFFFFFF  }
0xa5: {  	s5 =	sld [smem:$0x0]  }
0xa6: {  	s6 =	sand.u32 $0xFFFFFFFE, s1  }
0xa7: {  	p0 =	sne.s32 s1, s6  }
0xa8: {  	s6 =	sshll.u32 @p0 s6, $0xE  }
0xa9: {  	s6 =	sadd.s32 @p0 $0x11B8D, s6;
	s7 =	sshll.u32 @p0 s5, $0x11  }
0xaa: {  	s6 =	sor.u32 @p0 s7, s6  }
0xab: {  	[sflag:s6] =	ssyncadd.remote.s32 @p0 $0x1;
	_ =	sdelay $0x1  }
0xac: {  	s6 =	simm.s32 @p0 $0x1B8D  }
0xad: {  	_ =	swait.eq @p0 [sflag:s6], $0x1  }
0xae: {  	[sflag:s6] =	ssyncadd.s32 @p0 $0xFFFFFFFF  }
0xaf: {  	s7 =	sshll.u32 @!p0 s1, $0xE  }
0xb0: {  	s7 =	sor.u32 @!p0 $0x4000, s7;
	s6 =	simm.s32 @!p0 $0x1B8D  }
0xb1: {  	s5 =	sshll.u32 @!p0 s5, $0x11;
	s7 =	sadd.s32 @!p0 $0x11B8D, s7;
	_ =	swait.eq @!p0 [sflag:s6], $0x1  }
0xb2: {  	s5 =	sor.u32 @!p0 s5, s7;
	[sflag:s6] =	ssyncadd.s32 @!p0 $0xFFFFFFFF  }
0xb3: {  	s25 =	simm.s32 $0x1B8E;
	s24 =	sld [smem:$0x3FFE];
	[sflag:s5] =	ssyncadd.remote.s32 @!p0 $0x1  }
0xb4: {  	s26 =	simm.s32 $execute0_lowered;
	[smem:$0x3FD2] =	sst s25  }
0xb5: {  	s6 =	sshll.u32 s26, $0x1;
	_ =	strace $0x80000049;
	[dreg:$0x1] =	wrdreg $0xFFFFFFFF  }
0xb6: {  	s28 =	simm.s32 $_size_execute0_lowered;
	s4 =	sadd.s32 s4, s6;
	[dreg:$0x0] =	wrdreg $0x0  }
0xb7: {  	s6 =	sshll.u32 s28, $0x1;
	[dreg:$0x2] =	wrdreg s4  }
0xb8: {  	[dreg:$0x3] =	wrdreg s6  }
0xb9: {  	[dreg:$0x4] =	wrdreg $0xC0  }
0xba: {  	_ =	task [dreg:s22], $0x5FFFF  }
0xbb: {  	[dreg:$0x1] =	wrdreg $0xFFFFFFFF  }
0xbc: {  	[dreg:$0x0] =	wrdreg $0x60  }
0xbd: {  	[dreg:$0x2] =	wrdreg s24  }
0xbe: {  	[dreg:$0x3] =	wrdreg s18  }
0xbf: {  	[dreg:$0x4] =	wrdreg $0xA  }
0xc0: {  	_ =	task.clear_ibuf [dreg:s22], $0x5FFFF;
	_ =	strace $0x90000049  }
0xc1: {  	s29 =	simm.s32 $0xA;
	_ =	strace $0x8000004B  }
0xc2: {  	_ =	swait.ge [sflag:s29], $0x1  }
0xc3: {  	[sflag:s29] =	ssyncadd.s32 $0xFFFFFFFF  }
0xc4: {  	_ =	strace $0x9000004B  }
0xc5: {  	_ =	sfence  }
0xc6: {  	s30 =	sld [smem:$0x0];
	_ =	sdelay $0x2  }
0xc7: {  	s31 =	sshll.u32 s1, $0xD;
	s1 =	sshrl.u32 s1, $0x2  }
0xc8: {  	s4 =	sand.u32 $0x4000, s31;
	s1 =	sadd.s32 s1, s30  }
0xc9: {  	s0 =	sor.u32 s4, s0;
	s1 =	sshll.u32 s1, $0x11  }
0xca: {  	s0 =	sor.u32 s1, s0  }
0xcb: {  	s0 =	sadd.s32 $0x8F2B, s0  }
0xcc: {  	[sflag:s0] =	ssyncadd.remote.s32 $0x1  }
0xcd: {  	_ =	sfence.sel $0xFFFF  }
0xce: {  	[dreg:$0x0] =	wrdreg $0xFFFFFFFF;
	(pc) =	sbr.abs _section_cstart, $3  }
0xcf: {  	[dreg:$0x1] =	wrdreg $0xFFFFFFFF  }
0xd0: {  	_ =	task.clear_ibuf [dreg:s22], $0x2FFFF;
	_ =	strace $0x9FFFFFFF  }
0xd1: {  	(tm) =	ssettm $0x7FFFFFFF  }
tec
execute0_lowered:
.L_overlay_start_1:
0x0: {  	(tag) =	ssettag $0x1  }
0x1: {  	s3 =	rddreg [dreg:$0x0]  }
0x2: {  	s1 =	rddreg [dreg:$0x1]  }
0x3: {  	s0 =	rddreg [dreg:$0x2]  }
0x4: {  	s2 =	simm.s32 $0x0;
	s4 =	srdreg.scid;
	s15 =	simm.s32 $0x4100  }
0x5: {  	s16 =	simm.s32 $0x2100;
	s17 =	simm.s32 $0x6100;
	s18 =	simm.s32 $0x1  }
0x6: {  	s19 =	simm.s32 $0x3;
	s20 =	simm.s32 $0x2;
	s21 =	simm.s32 $0x4  }
0x7: {  	s22 =	simm.s32 $0x0;
	[smem:$0x7FF] =	sst s2;
	s11 =	sadd.s32 $0x107400, s3  }
0x8: {  	s5 =	sand.u32 $0x1, s4;
	s4 =	sadd.s32 $0x87400, s3;
	s9 =	sadd.s32 $0x197400, s3  }
0x9: {  	s10 =	sadd.s32 $0x397400, s3;
	s3 =	stileid.u32;
	_ =	strace $0x8000004A  }
0xa: {  	s6 =	ssub.s32 $0x2, s5;
	s28 =	sshll.u32 s3, $0xE;
	s8 =	sshll.u32 s3, $0x11  }
0xb: {  	s12 =	sshll.u32 s5, $0xD;
	s14 =	sshll.u32 s5, $0x10;
	s7 =	sshrl.u32 s6, $0x1  }
0xc: {  	s13 =	sadd.s32 s8, s10;
	s8 =	sadd.s32 s8, s9;
	s6 =	ssub.s32 s6, s7  }
0xd: {  	s7 =	sor.u32 s12, s28;
	s5 =	smax.u32 s6, $0x1;
	s6 =	sadd.s32 s14, s13  }
0xe: {  	s12 =	sshrl.u32 s7, $0x3;
	s29 =	sor.u32 $0x80, s7;
	s7 =	sadd.s32 s14, s8  }
0xf: {  	s13 =	simm.s32 $0x80;
	s14 =	simm.s32 $0x100;
	s8 =	sadd.s32 s12, s11  }
0x10: {  	s30 =	sshll.u32 s29, $0x3;
	s31 =	sshrl.u32 s29, $0x3;
	s12 =	simm.s32 $0x5  }
0x11: {  	s9 =	sadd.s32 s30, s9;
	s10 =	sadd.s32 s30, s10;
	s11 =	sadd.s32 s31, s11  }
.LBB2_1:
0x12: {  	[tilespmem:s2], [sflag:$0x5] =	stream.linear.gather [hbm4b:s8+s2], $0x80, $0x38;
	[tilespmem:$0x8100] =	vst v63  }
0x13: {  	_ =	swait.ge [sflag:s12], $0x80  }
0x14: {  	[sflag:s12] =	ssyncset.done $0x0  }
0x15: {  	[sflag:s12] =	ssyncadd.s32 $0xFFFFFF80  }
0x16: {  	[tilespmem:s14], [sflag:$0x1] =	stream.indirect.gather [hbm4b:s1+s13], $0x40, s2, s13, $0xb8;
	[tilespmem:$0x8100] =	vst v63  }
0x17: {  	_ = 	snop  }
0x18: {  	[tilespmem:s15], [sflag:$0x3] =	stream.indirect.gather [hbm4b:s4+s13], $0x40, s2, s13, $0xb8;
	[tilespmem:$0x8100] =	vst v63  }
0x19: {  	_ = 	snop  }
0x1a: {  	[tilespmem:s13], [sflag:$0x5] =	stream.linear.gather [hbm4b:s11+s2], $0x80, $0x38;
	[tilespmem:$0x8100] =	vst v63  }
0x1b: {  	_ =	swait.ge [sflag:s12], $0x80  }
0x1c: {  	[sflag:s12] =	ssyncset.done $0x0  }
0x1d: {  	[sflag:s12] =	ssyncadd.s32 $0xFFFFFF80  }
0x1e: {  	[tilespmem:s16], [sflag:$0x2] =	stream.indirect.gather [hbm4b:s1+s13], $0x40, s13, s13, $0xb8;
	[tilespmem:$0x8100] =	vst v63  }
0x1f: {  	_ = 	snop  }
0x20: {  	[tilespmem:s17], [sflag:$0x4] =	stream.indirect.gather [hbm4b:s4+s13], $0x40, s13, s13, $0xb8;
	[tilespmem:$0x8100] =	vst v63  }
0x21: {  	_ =	swait.ge [sflag:s18], $0x2000  }
0x22: {  	[sflag:s18] =	ssyncset.done $0x0  }
0x23: {  	[sflag:s18] =	ssyncadd.s32 $0xFFFFE000  }
0x24: {  	_ =	swait.ge [sflag:s19], $0x2000  }
0x25: {  	[sflag:s19] =	ssyncset.done $0x0  }
0x26: {  	s23 =	sadd.s32 $0x0, s7;
	[sflag:s19] =	ssyncadd.s32 $0xFFFFE000  }
0x27: {  	[hbm4b:s23+s2] =	stream.linear.scatter [tilespmem:s14], [sflag:$0x5], $0x2000, $0x38;
	[tilespmem:$0x8100] =	vst v63  }
0x28: {  	_ =	swait.ge [sflag:s12], $0x2000  }
0x29: {  	[sflag:s12] =	ssyncset.done $0x0  }
0x2a: {  	s29 =	sadd.s32 $0x0, s6;
	[sflag:s12] =	ssyncadd.s32 $0xFFFFE000  }
0x2b: {  	[hbm4b:s29+s2] =	stream.linear.scatter [tilespmem:s15], [sflag:$0x5], $0x2000, $0x38;
	[tilespmem:$0x8100] =	vst v63  }
0x2c: {  	_ =	swait.ge [sflag:s12], $0x2000  }
0x2d: {  	[sflag:s12] =	ssyncset.done $0x0  }
0x2e: {  	[sflag:s12] =	ssyncadd.s32 $0xFFFFE000  }
0x2f: {  	_ =	swait.ge [sflag:s20], $0x2000  }
0x30: {  	[sflag:s20] =	ssyncset.done $0x0  }
0x31: {  	[sflag:s20] =	ssyncadd.s32 $0xFFFFE000  }
0x32: {  	_ =	swait.ge [sflag:s21], $0x2000  }
0x33: {  	[sflag:s21] =	ssyncset.done $0x0  }
0x34: {  	s30 =	sadd.s32 $0x0, s9;
	[sflag:s21] =	ssyncadd.s32 $0xFFFFE000  }
0x35: {  	[hbm4b:s30+s2] =	stream.linear.scatter [tilespmem:s16], [sflag:$0x5], $0x2000, $0x38;
	[tilespmem:$0x8100] =	vst v63  }
0x36: {  	_ =	swait.ge [sflag:s12], $0x2000  }
0x37: {  	[sflag:s12] =	ssyncset.done $0x0  }
0x38: {  	s31 =	sadd.s32 $0x0, s10;
	[sflag:s12] =	ssyncadd.s32 $0xFFFFE000  }
0x39: {  	[hbm4b:s31+s2] =	stream.linear.scatter [tilespmem:s17], [sflag:$0x5], $0x2000, $0x38;
	[tilespmem:$0x8100] =	vst v63  }
0x3a: {  	s24 =	smov.u32 s8;
	_ =	swait.ge [sflag:s12], $0x2000  }
0x3b: {  	s25 =	smov.u32 s11;
	s23 =	simm.s32 $0x800;
	[sflag:s12] =	ssyncset.done $0x0  }
.LBB2_2:
0x3c: {  	[sflag:s12] =	ssyncadd.s32 $0xFFFFE000  }
0x3d: {  	s24 =	sadd.s32 $0x20, s24;
	s25 =	sadd.s32 $0x20, s25;
	s26 =	smov.u32 s23  }
0x3e: {  	[tilespmem:s2], [sflag:$0x5] =	stream.linear.gather [hbm4b:s24+s2], $0x80, $0x38;
	[tilespmem:$0x8100] =	vst v63  }
0x3f: {  	p0 =	sne.s32 s23, $0xF800;
	s23 =	sadd.s32 $0x800, s23;
	_ =	swait.ge [sflag:s12], $0x80  }
0x40: {  	[sflag:s12] =	ssyncset.done $0x0  }
0x41: {  	[sflag:s12] =	ssyncadd.s32 $0xFFFFFF80  }
0x42: {  	[tilespmem:s14], [sflag:$0x1] =	stream.indirect.gather [hbm4b:s1+s13], $0x40, s2, s13, $0xb8;
	[tilespmem:$0x8100] =	vst v63  }
0x43: {  	_ = 	snop  }
0x44: {  	[tilespmem:s15], [sflag:$0x3] =	stream.indirect.gather [hbm4b:s4+s13], $0x40, s2, s13, $0xb8;
	[tilespmem:$0x8100] =	vst v63  }
0x45: {  	_ = 	snop  }
0x46: {  	[tilespmem:s13], [sflag:$0x5] =	stream.linear.gather [hbm4b:s25+s2], $0x80, $0x38;
	[tilespmem:$0x8100] =	vst v63  }
0x47: {  	_ =	swait.ge [sflag:s12], $0x80  }
0x48: {  	[sflag:s12] =	ssyncset.done $0x0  }
0x49: {  	[sflag:s12] =	ssyncadd.s32 $0xFFFFFF80  }
0x4a: {  	[tilespmem:s16], [sflag:$0x2] =	stream.indirect.gather [hbm4b:s1+s13], $0x40, s13, s13, $0xb8;
	[tilespmem:$0x8100] =	vst v63  }
0x4b: {  	_ = 	snop  }
0x4c: {  	[tilespmem:s17], [sflag:$0x4] =	stream.indirect.gather [hbm4b:s4+s13], $0x40, s13, s13, $0xb8;
	[tilespmem:$0x8100] =	vst v63  }
0x4d: {  	_ =	swait.ge [sflag:s18], $0x2000  }
0x4e: {  	[sflag:s18] =	ssyncset.done $0x0  }
0x4f: {  	[sflag:s18] =	ssyncadd.s32 $0xFFFFE000  }
0x50: {  	_ =	swait.ge [sflag:s19], $0x2000  }
0x51: {  	[sflag:s19] =	ssyncset.done $0x0  }
0x52: {  	s28 =	sadd.s32 s26, s7;
	[sflag:s19] =	ssyncadd.s32 $0xFFFFE000  }
0x53: {  	[hbm4b:s28+s2] =	stream.linear.scatter [tilespmem:s14], [sflag:$0x5], $0x2000, $0x38;
	[tilespmem:$0x8100] =	vst v63  }
0x54: {  	_ =	swait.ge [sflag:s12], $0x2000  }
0x55: {  	[sflag:s12] =	ssyncset.done $0x0  }
0x56: {  	s28 =	sadd.s32 s26, s6;
	[sflag:s12] =	ssyncadd.s32 $0xFFFFE000  }
0x57: {  	[hbm4b:s28+s2] =	stream.linear.scatter [tilespmem:s15], [sflag:$0x5], $0x2000, $0x38;
	[tilespmem:$0x8100] =	vst v63  }
0x58: {  	_ =	swait.ge [sflag:s12], $0x2000  }
0x59: {  	[sflag:s12] =	ssyncset.done $0x0  }
0x5a: {  	[sflag:s12] =	ssyncadd.s32 $0xFFFFE000  }
0x5b: {  	_ =	swait.ge [sflag:s20], $0x2000  }
0x5c: {  	[sflag:s20] =	ssyncset.done $0x0  }
0x5d: {  	[sflag:s20] =	ssyncadd.s32 $0xFFFFE000  }
0x5e: {  	_ =	swait.ge [sflag:s21], $0x2000  }
0x5f: {  	[sflag:s21] =	ssyncset.done $0x0  }
0x60: {  	s28 =	sadd.s32 s26, s9;
	[sflag:s21] =	ssyncadd.s32 $0xFFFFE000  }
0x61: {  	[hbm4b:s28+s2] =	stream.linear.scatter [tilespmem:s16], [sflag:$0x5], $0x2000, $0x38;
	[tilespmem:$0x8100] =	vst v63  }
0x62: {  	_ =	swait.ge [sflag:s12], $0x2000  }
.Ltmp0:
0x63: {  	[sflag:s12] =	ssyncset.done $0x0;
	(pc) =	sbr.rel @p0 .LBB2_2-.Ltmp0, $4  }
0x64: {  	s26 =	sadd.s32 s26, s10;
	[sflag:s12] =	ssyncadd.s32 $0xFFFFE000  }
0x65: {  	[hbm4b:s26+s2] =	stream.linear.scatter [tilespmem:s17], [sflag:$0x5], $0x2000, $0x38;
	[tilespmem:$0x8100] =	vst v63  }
0x66: {  	_ =	swait.ge [sflag:s12], $0x2000  }
0x67: {  	[sflag:s12] =	ssyncset.done $0x0  }
0x68: {  	s22 =	sadd.s32 $0x1, s22  }
0x69: {  	p0 =	sne.s32 s22, s5  }
.Ltmp1:
0x6a: {  	_ = 	snop;
	(pc) =	sbr.rel @p0 .LBB2_1-.Ltmp1, $2  }
0x6b: {  	_ =	sdelay $0x2  }
0x6c: {  	[sflag:s12] =	ssyncadd.s32 $0xFFFFE000  }
0x6d: {  	_ =	sfence.sel $0x180000  }
0x6e: {  	[bflag:$0x0] =	sbarrier.arrive $0xFFFF  }
0x6f: {  	p0 =	sne.s32 s3, $0x0;
	_ =	strace $0x9000004A  }
0x70: {  	s0 =	sadd.s32 @!p0 $0x100000, s0;
	[bflag:$0x2] =	sbarrier.arrive $0xFFFF  }
0x71: {  	[sflag:s0] =	ssyncadd.tile.s32 @!p0 $0x1;
	_ =	shalt  }
.Lfunc_end2:
_tile_overlayer_lowered:
.L_overlay_start_2:
0x72: {  	(tag) =	ssettag $0x2  }
0x73: {  	s0 =	rddreg [dreg:$0x0];
	s2 =	stileid.u32  }
0x74: {  	s1 =	rddreg [dreg:$0x1];
	p0 =	sne.s32 s2, $0x0  }
0x75: {  	s3 =	rddreg [dreg:$0x2];
	[bflag:$0x3] =	sbarrier.arrive $0xFFFF;
	s2 =	simm.s32 @!p0 $0x1C05  }
0x76: {  	[timem:s3], [sflag:s2] =	dma.local @!p0 [hbm:s0], s1  }
0x77: {  	s0 =	simm.s32 @!p0 $0x5  }
0x78: {  	_ =	swait.ge @!p0 [sflag:s0], s1  }
0x79: {  	s1 =	ssub.s32 @!p0 $0x0, s1;
	[sflag:s0] =	ssyncset.done @!p0 $0x0  }
0x7a: {  	[sflag:s0] =	ssyncadd.s32 @!p0 s1  }
0x7b: {  	[bflag:$0x3] =	sbarrier.arrive $0xFFFF  }
0x7c: {  	_ =	shalt  }

// kernel: kernel.9.cloned.1.call-start
scs
__scs_entry_jumppad:
0x0: {  	(pc) =	sbr.rel $0x88, $3  }
0x1: {  	(tag) =	ssettag $0x0;
	lr =	simm.s32 $0x1  }
0x2: {  	[smem:$0x3F8B] =	sst lr;
	_ =	strace $0xD0000000  }
0x3: {  	_ = 	snop  }
0x4: {  	_ = 	snop  }
0x5: {  	_ = 	snop  }
0x6: {  	_ = 	snop  }
0x7: {  	_ = 	snop  }
__scs_overlays_trampoline_lowered:
0x8: {  	[smem:$0x3F9A] =	sst s0  }
0x9: {  	[smem:$0x3F9B] =	sst s1  }
0xa: {  	[smem:$0x3F9C] =	sst s2  }
0xb: {  	[smem:$0x3F9D] =	sst s3  }
0xc: {  	[smem:$0x3F9E] =	sst s4  }
0xd: {  	[smem:$0x3F9F] =	sst s5  }
0xe: {  	[smem:$0x3FA0] =	sst s6  }
0xf: {  	[smem:$0x3FA1] =	sst s7  }
0x10: {  	[smem:$0x3FA2] =	sst s8  }
0x11: {  	[smem:$0x3FA3] =	sst s9;
	s0 =	simm.s32 @!p0 $0x0  }
0x12: {  	s1 =	sld [smem:$0x3F89];
	s0 =	simm.s32 @p0 $0x1  }
0x13: {  	[smem:$0x3FA4] =	sst s0;
	s0 =	simm.s32 @!p1 $0x0  }
0x14: {  	s2 =	sld [smem:$0x3F88];
	s0 =	simm.s32 @p1 $0x1  }
0x15: {  	[smem:$0x3FA5] =	sst s0;
	s0 =	simm.s32 @!p2 $0x0  }
0x16: {  	s3 =	sld [smem:$0x3FDB];
	s0 =	simm.s32 @p2 $0x1  }
0x17: {  	s4 =	simm.s32 $0x1BF5;
	[smem:$0x3FA7] =	sst s0  }
0x18: {  	s0 =	sld [smem:$0x3F8A];
	_ =	swait.ge [sflag:s4], $0x0  }
0x19: {  	s7 =	sld [smem:$0x3F8B]  }
0x1a: {  	s8 =	sadd.s32 $0xFFFFE003, lr  }
0x1b: {  	s9 =	sadd.s32 $0xFFFFFEF7, lr;
	s5 =	simm.s32 $0xFFFFFFFF;
	p2 =	slt.u32 s8, $0xFFFFF086  }
0x1c: {  	p1 =	slt.u32 s9, $0xF7A;
	s5 =	simm.s32 @!p2 $0x0  }
0x1d: {  	s5 =	simm.s32 @p1 $0x1;
	p0 =	seq.s32 s7, s2  }
0x1e: {  	s7 =	smul.u32 @!p0 $0xF7A, s2;
	p2 =	seq.s32 @!p0 s5, $0x0  }
0x1f: {  	s9 =	smul.u32 $0xF7A, s1;
	s8 =	simm.s32 @!p0 $0x1BF5;
	p2 =	por !p2, p0  }
0x20: {  	[sflag:s8] =	ssyncset.s32 @!p0 $0xFFFFF086;
	s6 =	sadd.s32 @!p0 s3, s7;
	s7 =	simm.s32 @!p0 $0x108  }
0x21: {  	s3 =	sadd.s32 s3, s9;
	s6 =	sadd.s32 @!p0 $0x88, s6;
	s7 =	simm.s32 @p2 $0x1082  }
0x22: {  	[simem:s7], [sflag:s8] =	dma.local @!p0 [hbm:s6], $0xF7A  }
0x23: {  	s9 =	sor.u32 $0xD0000000, s2;
	s6 =	simm.s32 $0x108;
	_ =	swait.ge @!p0 [sflag:s8], $0x0  }
0x24: {  	s3 =	sadd.s32 $0x88, s3;
	s6 =	simm.s32 @!p1 $0x1082;
	[sflag:s4] =	ssyncset.s32 $0xFFFFF086  }
0x25: {  	[simem:s6], [sflag:s4] =	dma.local [hbm:s3], $0xF7A  }
0x26: {  	[smem:$0x3F8B] =	sst s1;
	(tag) =	ssettag s2;
	_ =	strace s9  }
0x27: {  	s1 =	sld [smem:$0x3F9B]  }
0x28: {  	s2 =	sld [smem:$0x3F9C]  }
0x29: {  	s4 =	sld [smem:$0x3F9E]  }
0x2a: {  	p0 =	seq.s32 s5, $0x0;
	s5 =	sld [smem:$0x3F9F]  }
0x2b: {  	s6 =	sld [smem:$0x3FA0]  }
0x2c: {  	s7 =	sld [smem:$0x3FA1]  }
0x2d: {  	s3 =	simm.s32 $0x108;
	s8 =	sld [smem:$0x3FA2]  }
0x2e: {  	s3 =	simm.s32 @!p0 $0x1082;
	s9 =	sld [smem:$0x3FA3]  }
0x2f: {  	lr =	sadd.s32 s0, s3;
	s0 =	sld [smem:$0x3F9A]  }
0x30: {  	s3 =	sld [smem:$0x3F9D]  }
0x31: {  	[smem:$0x3FA6] =	sst s10  }
0x32: {  	s10 =	sld [smem:$0x3FA4];
	_ =	sdelay $0x3  }
0x33: {  	p0 =	seq.s32 s10, $0x1;
	s10 =	sld [smem:$0x3FA6];
	_ =	sdelay $0x3  }
0x34: {  	[smem:$0x3FA6] =	sst s10  }
0x35: {  	s10 =	sld [smem:$0x3FA5];
	_ =	sdelay $0x3  }
0x36: {  	p1 =	seq.s32 s10, $0x1;
	s10 =	sld [smem:$0x3FA6];
	_ =	sdelay $0x3  }
0x37: {  	[smem:$0x3FA6] =	sst s10  }
0x38: {  	s10 =	sld [smem:$0x3FA7]  }
0x39: {  	_ = 	snop;
	(pc) =	sbr.ind lr, $3  }
0x3a: {  	_ = 	snop  }
0x3b: {  	_ = 	snop  }
0x3c: {  	p2 =	seq.s32 s10, $0x1;
	s10 =	sld [smem:$0x3FA6]  }
0x3d: {  	_ =	shalt  }
0x3e: {  	_ =	shalt  }
0x3f: {  	_ =	shalt  }
0x40: {  	_ =	shalt  }
0x41: {  	_ =	shalt  }
0x42: {  	_ =	shalt  }
0x43: {  	_ =	shalt  }
0x44: {  	_ =	shalt  }
0x45: {  	_ =	shalt  }
0x46: {  	_ =	shalt  }
0x47: {  	_ =	shalt  }
0x48: {  	_ =	shalt  }
0x49: {  	_ =	shalt  }
0x4a: {  	_ =	shalt  }
0x4b: {  	_ =	shalt  }
0x4c: {  	_ =	shalt  }
0x4d: {  	_ =	shalt  }
0x4e: {  	_ =	shalt  }
0x4f: {  	_ =	shalt  }
0x50: {  	_ =	shalt  }
0x51: {  	_ =	shalt  }
0x52: {  	_ =	shalt  }
0x53: {  	_ =	shalt  }
0x54: {  	_ =	shalt  }
0x55: {  	_ =	shalt  }
0x56: {  	_ =	shalt  }
0x57: {  	_ =	shalt  }
0x58: {  	_ =	shalt  }
0x59: {  	_ =	shalt  }
0x5a: {  	_ =	shalt  }
0x5b: {  	_ =	shalt  }
0x5c: {  	_ =	shalt  }
0x5d: {  	_ =	shalt  }
0x5e: {  	_ =	shalt  }
0x5f: {  	_ =	shalt  }
0x60: {  	_ =	shalt  }
0x61: {  	_ =	shalt  }
0x62: {  	_ =	shalt  }
0x63: {  	_ =	shalt  }
0x64: {  	_ =	shalt  }
0x65: {  	_ =	shalt  }
0x66: {  	_ =	shalt  }
0x67: {  	_ =	shalt  }
0x68: {  	_ =	shalt  }
0x69: {  	_ =	shalt  }
0x6a: {  	_ =	shalt  }
0x6b: {  	_ =	shalt  }
0x6c: {  	_ =	shalt  }
0x6d: {  	_ =	shalt  }
0x6e: {  	_ =	shalt  }
0x6f: {  	_ =	shalt  }
0x70: {  	_ =	shalt  }
0x71: {  	_ =	shalt  }
0x72: {  	_ =	shalt  }
0x73: {  	_ =	shalt  }
0x74: {  	_ =	shalt  }
0x75: {  	_ =	shalt  }
0x76: {  	_ =	shalt  }
0x77: {  	_ =	shalt  }
0x78: {  	_ =	shalt  }
0x79: {  	_ =	shalt  }
0x7a: {  	_ =	shalt  }
0x7b: {  	_ =	shalt  }
0x7c: {  	_ =	shalt  }
0x7d: {  	_ =	shalt  }
0x7e: {  	_ =	shalt  }
0x7f: {  	_ =	shalt  }
0x80: {  	_ =	shalt  }
0x81: {  	_ =	shalt  }
0x82: {  	_ =	shalt  }
0x83: {  	_ =	shalt  }
0x84: {  	_ =	shalt  }
0x85: {  	_ =	shalt  }
0x86: {  	_ =	shalt  }
0x87: {  	_ =	shalt  }
.Lfunc_end0:
.L_simem_size_0:
called_computation_lowered:
.L_overlay_start_0:
0x88: {  	s2 =	sld [smem:$0x3FD9]  }
0x89: {  	s3 =	sld [smem:$0x3FFE];
	_ =	sdelay $0x1  }
0x8a: {  	s1 =	srdreg.scid  }
0x8b: {  	s0 =	sand.u32 $0x1, s1  }
0x8c: {  	s16 =	sshll.u32 s0, $0xA;
	s2 =	sadd.s32 s3, s2  }
0x8d: {  	s2 =	sadd.s32 s2, s16  }
0x8e: {  	[smem:$0x3FB2] =	sst s2  }
0x8f: {  	_ = 	snop  }
0x90: {  	(tm) =	ssettm $0x1  }
0x91: {  	s17 =	sld [smem:$0x3FFB];
	_ =	sdelay $0x3  }
0x92: {  	_ =	strace s17  }
0x93: {  	s2 =	sld [smem:$0x3FFC];
	_ =	sdelay $0x3  }
0x94: {  	_ =	strace s2  }
0x95: {  	s2 =	sld [smem:$0x3FFD];
	_ =	sdelay $0x3  }
0x96: {  	_ =	strace s2  }
0x97: {  	_ =	strace $0x8FFFFFFF  }
0x98: {  	s18 =	sld [smem:$0x3FDB];
	_ =	sdelay $0x1  }
0x99: {  	s19 =	simm.s32 $_scs_section_size  }
0x9a: {  	s4 =	simm.s32 $_size__tile_overlayer_lowered;
	s5 =	simm.s32 $_tile_overlayer_lowered  }
0x9b: {  	s22 =	simm.s32 $0x1BFF;
	s21 =	sshll.u32 s5, $0x1;
	s2 =	sadd.s32 s19, s18  }
0x9c: {  	s6 =	simm.s32 $0x0;
	s20 =	sshll.u32 s4, $0x1;
	s4 =	sadd.s32 s21, s2  }
0x9d: {  	[timem:s6], [sflag:s22] =	dma.local [hbm:s4], s20  }
0x9e: {  	_ =	swait.ge [sflag:s22], s20  }
0x9f: {  	s3 =	ssub.s32 $0x0, s20;
	[sflag:s22] =	ssyncset.done $0x0  }
0xa0: {  	[sflag:s22] =	ssyncadd.s32 s3;
	_ =	sdelay $0x1  }
0xa1: {  	s23 =	simm.s32 $0x1B8B  }
0xa2: {  	_ =	swait.ge [sflag:s23], $0x1  }
0xa3: {  	[sflag:s23] =	ssyncset.done $0x0  }
0xa4: {  	s25 =	simm.s32 $0x1B8E;
	s24 =	sld [smem:$0x3FFE];
	[sflag:s23] =	ssyncadd.s32 $0xFFFFFFFF  }
0xa5: {  	s26 =	simm.s32 $execute0_lowered;
	[smem:$0x3FD2] =	sst s25  }
0xa6: {  	s4 =	sshll.u32 s26, $0x1;
	_ =	strace $0x80000046;
	[dreg:$0x1] =	wrdreg $0xFFFFFFFF  }
0xa7: {  	s28 =	simm.s32 $_size_execute0_lowered;
	s2 =	sadd.s32 s2, s4;
	[dreg:$0x0] =	wrdreg $0x0  }
0xa8: {  	s4 =	sshll.u32 s28, $0x1;
	[dreg:$0x2] =	wrdreg s2  }
0xa9: {  	[dreg:$0x3] =	wrdreg s4  }
0xaa: {  	[dreg:$0x4] =	wrdreg $0xC0  }
0xab: {  	_ =	task [dreg:s6], $0x5FFFF  }
0xac: {  	[dreg:$0x1] =	wrdreg $0xFFFFFFFF  }
0xad: {  	[dreg:$0x0] =	wrdreg $0x60  }
0xae: {  	[dreg:$0x2] =	wrdreg s24  }
0xaf: {  	[dreg:$0x3] =	wrdreg $0x9  }
0xb0: {  	_ =	task.clear_ibuf [dreg:s6], $0x4FFFF;
	_ =	strace $0x90000046  }
0xb1: {  	s29 =	simm.s32 $0x9;
	_ =	strace $0x80000048  }
0xb2: {  	_ =	swait.ge [sflag:s29], $0x1  }
0xb3: {  	[sflag:s29] =	ssyncadd.s32 $0xFFFFFFFF  }
0xb4: {  	_ =	strace $0x90000048  }
0xb5: {  	_ =	sfence  }
0xb6: {  	s30 =	sld [smem:$0x0];
	_ =	sdelay $0x2  }
0xb7: {  	s31 =	sshll.u32 s1, $0xD;
	s1 =	sshrl.u32 s1, $0x2  }
0xb8: {  	s3 =	sand.u32 $0x4000, s31;
	s1 =	sadd.s32 s1, s30  }
0xb9: {  	s0 =	sor.u32 s3, s0;
	s1 =	sshll.u32 s1, $0x11  }
0xba: {  	s0 =	sor.u32 s1, s0  }
0xbb: {  	s0 =	sadd.s32 $0x8F2B, s0  }
0xbc: {  	[sflag:s0] =	ssyncadd.remote.s32 $0x1  }
0xbd: {  	_ =	sfence.sel $0xFFFF  }
0xbe: {  	[dreg:$0x0] =	wrdreg $0xFFFFFFFF;
	(pc) =	sbr.abs _section_cstart, $3  }
0xbf: {  	[dreg:$0x1] =	wrdreg $0xFFFFFFFF  }
0xc0: {  	_ =	task.clear_ibuf [dreg:s6], $0x2FFFF;
	_ =	strace $0x9FFFFFFF  }
0xc1: {  	(tm) =	ssettm $0x7FFFFFFF  }
tec
execute0_lowered:
.L_overlay_start_1:
0x0: {  	(tag) =	ssettag $0x1  }
0x1: {  	s4 =	rddreg [dreg:$0x0]  }
0x2: {  	s0 =	rddreg [dreg:$0x1];
	s1 =	simm.s32 $0x0  }
0x3: {  	s2 =	srdreg.scid;
	s11 =	simm.s32 $0x100;
	s12 =	simm.s32 $0x900  }
0x4: {  	s13 =	simm.s32 $0x1;
	s14 =	simm.s32 $0x2;
	s15 =	simm.s32 $0x0  }
0x5: {  	[smem:$0x7FF] =	sst s1;
	s5 =	sand.u32 $0x1, s2;
	s8 =	sadd.s32 $0x107400, s4  }
0x6: {  	s3 =	sadd.s32 $0x10F400, s4;
	s2 =	stileid.u32;
	s9 =	sadd.s32 $0x117400, s4  }
0x7: {  	s6 =	ssub.s32 $0x2, s5;
	s28 =	sshll.u32 s2, $0xE;
	s29 =	sshll.u32 s5, $0xD  }
0x8: {  	s10 =	sshll.u32 s2, $0xF;
	s5 =	sshll.u32 s5, $0xE;
	s7 =	sshrl.u32 s6, $0x1  }
0x9: {  	s10 =	sadd.s32 s10, s9;
	s26 =	ssub.s32 s6, s7;
	s6 =	sor.u32 s29, s28  }
0xa: {  	_ =	strace $0x80000047;
	s5 =	sadd.s32 s5, s10;
	s30 =	sor.u32 $0x80, s6  }
0xb: {  	s4 =	smax.u32 s26, $0x1;
	s7 =	sshrl.u32 s6, $0x3;
	s31 =	sshll.u32 s30, $0x1  }
0xc: {  	s6 =	sadd.s32 s7, s8;
	s10 =	sshrl.u32 s30, $0x3;
	s7 =	sadd.s32 s31, s9  }
0xd: {  	s8 =	sadd.s32 s10, s8;
	s9 =	simm.s32 $0x3;
	s10 =	simm.s32 $0x80  }
.LBB2_1:
0xe: {  	s16 =	sadd.s32 $0x0, s6  }
0xf: {  	[tilespmem:s1], [sflag:$0x3] =	stream.linear.gather [hbm4b:s16+s1], $0x80, $0x38;
	[tilespmem:$0x1100] =	vst v63  }
0x10: {  	_ =	swait.ge [sflag:s9], $0x80  }
0x11: {  	[sflag:s9] =	ssyncset.done $0x0  }
0x12: {  	[sflag:s9] =	ssyncadd.s32 $0xFFFFFF80  }
0x13: {  	[tilespmem:s11], [sflag:$0x1] =	stream.indirect.gather [hbm4b:s3+s10], $0x10, s1, s10, $0xb8;
	[tilespmem:$0x1100] =	vst v63  }
0x14: {  	s31 =	sadd.s32 $0x0, s8  }
0x15: {  	[tilespmem:s10], [sflag:$0x3] =	stream.linear.gather [hbm4b:s31+s1], $0x80, $0x38;
	[tilespmem:$0x1100] =	vst v63  }
0x16: {  	_ =	swait.ge [sflag:s9], $0x80  }
0x17: {  	[sflag:s9] =	ssyncset.done $0x0  }
0x18: {  	[sflag:s9] =	ssyncadd.s32 $0xFFFFFF80  }
0x19: {  	[tilespmem:s12], [sflag:$0x2] =	stream.indirect.gather [hbm4b:s3+s10], $0x10, s10, s10, $0xb8;
	[tilespmem:$0x1100] =	vst v63  }
0x1a: {  	_ =	swait.ge [sflag:s13], $0x800  }
0x1b: {  	[sflag:s13] =	ssyncset.done $0x0  }
0x1c: {  	[sflag:s13] =	ssyncadd.s32 $0xFFFFF800  }
0x1d: {  	[hbm4b:s5+s1] =	stream.linear.scatter [tilespmem:s11], [sflag:$0x3], $0x800, $0x38;
	[tilespmem:$0x1100] =	vst v63  }
0x1e: {  	_ =	swait.ge [sflag:s9], $0x800  }
0x1f: {  	[sflag:s9] =	ssyncset.done $0x0  }
0x20: {  	[sflag:s9] =	ssyncadd.s32 $0xFFFFF800  }
0x21: {  	_ =	swait.ge [sflag:s14], $0x800  }
0x22: {  	[sflag:s14] =	ssyncset.done $0x0  }
0x23: {  	[sflag:s14] =	ssyncadd.s32 $0xFFFFF800  }
0x24: {  	[hbm4b:s7+s1] =	stream.linear.scatter [tilespmem:s12], [sflag:$0x3], $0x800, $0x38;
	[tilespmem:$0x1100] =	vst v63  }
0x25: {  	s18 =	simm.s32 $0x20;
	s19 =	simm.s32 $0x40;
	_ =	swait.ge [sflag:s9], $0x800  }
0x26: {  	s17 =	sadd.s32 $0x200, s5;
	s16 =	sadd.s32 $0x200, s7;
	[sflag:s9] =	ssyncset.done $0x0  }
.LBB2_2:
0x27: {  	s20 =	sadd.s32 s18, s6  }
0x28: {  	[sflag:s9] =	ssyncadd.s32 $0xFFFFF800;
	s21 =	smov.u32 s19;
	s22 =	sadd.s32 $0x20, s19  }
0x29: {  	[tilespmem:s1], [sflag:$0x3] =	stream.linear.gather [hbm4b:s20+s1], $0x80, $0x38;
	[tilespmem:$0x1100] =	vst v63  }
0x2a: {  	p0 =	sne.s32 s19, $0x3E0;
	_ =	swait.ge [sflag:s9], $0x80  }
0x2b: {  	[sflag:s9] =	ssyncset.done $0x0  }
0x2c: {  	[sflag:s9] =	ssyncadd.s32 $0xFFFFFF80  }
0x2d: {  	[tilespmem:s11], [sflag:$0x1] =	stream.indirect.gather [hbm4b:s3+s10], $0x10, s1, s10, $0xb8;
	[tilespmem:$0x1100] =	vst v63  }
0x2e: {  	s19 =	sadd.s32 s18, s8;
	s18 =	smov.u32 s21  }
0x2f: {  	[tilespmem:s10], [sflag:$0x3] =	stream.linear.gather [hbm4b:s19+s1], $0x80, $0x38;
	[tilespmem:$0x1100] =	vst v63  }
0x30: {  	_ =	swait.ge [sflag:s9], $0x80  }
0x31: {  	[sflag:s9] =	ssyncset.done $0x0  }
0x32: {  	[sflag:s9] =	ssyncadd.s32 $0xFFFFFF80  }
0x33: {  	[tilespmem:s12], [sflag:$0x2] =	stream.indirect.gather [hbm4b:s3+s10], $0x10, s10, s10, $0xb8;
	[tilespmem:$0x1100] =	vst v63  }
0x34: {  	_ =	swait.ge [sflag:s13], $0x800  }
0x35: {  	[sflag:s13] =	ssyncset.done $0x0  }
0x36: {  	[sflag:s13] =	ssyncadd.s32 $0xFFFFF800  }
0x37: {  	[hbm4b:s17+s1] =	stream.linear.scatter [tilespmem:s11], [sflag:$0x3], $0x800, $0x38;
	[tilespmem:$0x1100] =	vst v63  }
0x38: {  	_ =	swait.ge [sflag:s9], $0x800  }
0x39: {  	[sflag:s9] =	ssyncset.done $0x0  }
0x3a: {  	[sflag:s9] =	ssyncadd.s32 $0xFFFFF800  }
0x3b: {  	_ =	swait.ge [sflag:s14], $0x800  }
.Ltmp0:
0x3c: {  	[sflag:s14] =	ssyncset.done $0x0;
	(pc) =	sbr.rel @p0 .LBB2_2-.Ltmp0, $4  }
0x3d: {  	[sflag:s14] =	ssyncadd.s32 $0xFFFFF800  }
0x3e: {  	[hbm4b:s16+s1] =	stream.linear.scatter [tilespmem:s12], [sflag:$0x3], $0x800, $0x38;
	[tilespmem:$0x1100] =	vst v63  }
0x3f: {  	s19 =	smov.u32 s22;
	_ =	swait.ge [sflag:s9], $0x800  }
0x40: {  	s17 =	sadd.s32 $0x200, s17;
	s16 =	sadd.s32 $0x200, s16;
	[sflag:s9] =	ssyncset.done $0x0  }
0x41: {  	s19 =	sadd.s32 s18, s6;
	[sflag:s9] =	ssyncadd.s32 $0xFFFFF800  }
0x42: {  	[tilespmem:s1], [sflag:$0x3] =	stream.linear.gather [hbm4b:s19+s1], $0x80, $0x38;
	[tilespmem:$0x1100] =	vst v63  }
0x43: {  	_ =	swait.ge [sflag:s9], $0x80  }
0x44: {  	[sflag:s9] =	ssyncset.done $0x0  }
0x45: {  	[sflag:s9] =	ssyncadd.s32 $0xFFFFFF80  }
0x46: {  	[tilespmem:s11], [sflag:$0x1] =	stream.indirect.gather [hbm4b:s3+s10], $0x10, s1, s10, $0xb8;
	[tilespmem:$0x1100] =	vst v63  }
0x47: {  	s31 =	sadd.s32 s18, s8  }
0x48: {  	[tilespmem:s10], [sflag:$0x3] =	stream.linear.gather [hbm4b:s31+s1], $0x80, $0x38;
	[tilespmem:$0x1100] =	vst v63  }
0x49: {  	_ =	swait.ge [sflag:s9], $0x80  }
0x4a: {  	[sflag:s9] =	ssyncset.done $0x0  }
0x4b: {  	[sflag:s9] =	ssyncadd.s32 $0xFFFFFF80  }
0x4c: {  	[tilespmem:s12], [sflag:$0x2] =	stream.indirect.gather [hbm4b:s3+s10], $0x10, s10, s10, $0xb8;
	[tilespmem:$0x1100] =	vst v63  }
0x4d: {  	_ =	swait.ge [sflag:s13], $0x800  }
0x4e: {  	[sflag:s13] =	ssyncset.done $0x0  }
0x4f: {  	[sflag:s13] =	ssyncadd.s32 $0xFFFFF800  }
0x50: {  	[hbm4b:s17+s1] =	stream.linear.scatter [tilespmem:s11], [sflag:$0x3], $0x800, $0x38;
	[tilespmem:$0x1100] =	vst v63  }
0x51: {  	_ =	swait.ge [sflag:s9], $0x800  }
0x52: {  	[sflag:s9] =	ssyncset.done $0x0  }
0x53: {  	[sflag:s9] =	ssyncadd.s32 $0xFFFFF800  }
0x54: {  	s15 =	sadd.s32 $0x1, s15;
	_ =	swait.ge [sflag:s14], $0x800  }
0x55: {  	p0 =	sne.s32 s15, s4;
	[sflag:s14] =	ssyncset.done $0x0  }
.Ltmp1:
0x56: {  	[sflag:s14] =	ssyncadd.s32 $0xFFFFF800;
	(pc) =	sbr.rel @p0 .LBB2_1-.Ltmp1, $4  }
0x57: {  	[hbm4b:s16+s1] =	stream.linear.scatter [tilespmem:s12], [sflag:$0x3], $0x800, $0x38;
	[tilespmem:$0x1100] =	vst v63  }
0x58: {  	_ =	swait.ge [sflag:s9], $0x800  }
0x59: {  	[sflag:s9] =	ssyncset.done $0x0  }
0x5a: {  	[sflag:s9] =	ssyncadd.s32 $0xFFFFF800  }
0x5b: {  	_ =	sfence.sel $0x180000  }
0x5c: {  	[bflag:$0x0] =	sbarrier.arrive $0xFFFF  }
0x5d: {  	p0 =	sne.s32 s2, $0x0;
	_ =	strace $0x90000047  }
0x5e: {  	s0 =	sadd.s32 @!p0 $0x100000, s0;
	[bflag:$0x2] =	sbarrier.arrive $0xFFFF  }
0x5f: {  	[sflag:s0] =	ssyncadd.tile.s32 @!p0 $0x1;
	_ =	shalt  }
.Lfunc_end2:
_tile_overlayer_lowered:
.L_overlay_start_2:
0x60: {  	(tag) =	ssettag $0x2  }
0x61: {  	s0 =	rddreg [dreg:$0x0];
	s2 =	stileid.u32  }
0x62: {  	s1 =	rddreg [dreg:$0x1];
	p0 =	sne.s32 s2, $0x0  }
0x63: {  	s3 =	rddreg [dreg:$0x2];
	[bflag:$0x3] =	sbarrier.arrive $0xFFFF;
	s2 =	simm.s32 @!p0 $0x1C03  }
0x64: {  	[timem:s3], [sflag:s2] =	dma.local @!p0 [hbm:s0], s1  }
0x65: {  	s0 =	simm.s32 @!p0 $0x3  }
0x66: {  	_ =	swait.ge @!p0 [sflag:s0], s1  }
0x67: {  	s1 =	ssub.s32 @!p0 $0x0, s1;
	[sflag:s0] =	ssyncset.done @!p0 $0x0  }
0x68: {  	[sflag:s0] =	ssyncadd.s32 @!p0 s1  }
0x69: {  	[bflag:$0x3] =	sbarrier.arrive $0xFFFF  }
0x6a: {  	_ =	shalt  }

</sc_bundles>
